<compile_context>
chip_gen: v7x
topology: tpu7x:2x2x1
jax: 0.10.2.dev20260603
libtpu: 0.0.44.dev20260713+nightly
codegen_flags: <defaults>
</compile_context>

<pallas_src>
import functools

import jax
import jax.numpy as jnp
from jax import lax
from jax.experimental import pallas as pl
from jax.experimental.pallas import tpu as pltpu
from jax.experimental.pallas import tpu_sc as plsc

N = 10000
F = 128
E = 320000
NC, NS = 2, 16
NW = NC * NS
CH = 128
NCHT = E // CH
CPW = NCHT // NW
XTRA = NCHT - CPW * NW
LD = 88
NROW = NCHT + 4
ROWS = 10240
RPS = ROWS // NS
MB = 1000

_mesh = plsc.VectorSubcoreMesh(core_axis_name="c", subcore_axis_name="s")


@functools.partial(
    pl.kernel,
    out_type=jax.ShapeDtypeStruct((NC, ROWS, 16), jnp.float32),
    mesh=_mesh,
    scratch_types=[
        pltpu.VMEM((LD, CH), jnp.int32),
        pltpu.VMEM((CH, 16), jnp.float32),
        pltpu.VMEM((CH, 16), jnp.float32),
        pltpu.VMEM_SHARED((ROWS, 16), jnp.float32),
    ],
)
def _deg_kernel(dst_hbm, out_hbm, dst_v, zeros_v, ones_v, acc):
    c = lax.axis_index("c")
    s = lax.axis_index("s")
    wid = s * NC + c
    n = jnp.where(wid < XTRA, CPW + 1, CPW)
    start = CPW * wid + jnp.minimum(wid, XTRA)
    astart = (start // 8) * 8
    off = start - astart

    def fill(i, _):
        zeros_v[i, :] = jnp.zeros((16,), jnp.float32)
        ones_v[i, :] = jnp.ones((16,), jnp.float32)
        return 0

    lax.fori_loop(0, CH, fill, 0)
    base = s * RPS
    for k in range(RPS // CH):
        pltpu.sync_copy(zeros_v, acc.at[pl.ds(base + k * CH, CH)])
    plsc.subcore_barrier()

    pltpu.sync_copy(dst_hbm.at[pl.ds(astart, LD)], dst_v)

    def body(j, _):
        pltpu.sync_copy(ones_v, acc.at[dst_v.at[off + j]], add=True)
        return 0

    lax.fori_loop(0, n, body, 0)
    plsc.subcore_barrier()
    for k in range(RPS // CH):
        pltpu.sync_copy(acc.at[pl.ds(base + k * CH, CH)],
                        out_hbm.at[c, pl.ds(base + k * CH, CH)])


@functools.partial(
    pl.kernel,
    out_type=jax.ShapeDtypeStruct((NC, ROWS, F), jnp.float32),
    mesh=_mesh,
    scratch_types=[
        pltpu.VMEM((LD, CH), jnp.int32),
        pltpu.VMEM((LD, CH), jnp.int32),
        pltpu.VMEM((CH, F), jnp.float32),
        pltpu.VMEM_SHARED((ROWS, F), jnp.float32),
        pltpu.SemaphoreType.DMA,
    ],
)
def _scatter_kernel(tab_hbm, src_hbm, dst_hbm, out_hbm,
                    src_v, dst_v, rows_v, acc, sem):
    c = lax.axis_index("c")
    s = lax.axis_index("s")
    wid = s * NC + c
    n = jnp.where(wid < XTRA, CPW + 1, CPW)
    start = CPW * wid + jnp.minimum(wid, XTRA)
    astart = (start // 8) * 8
    off = start - astart

    def zfill(i, _):
        for l in range(F // 16):
            rows_v[i, pl.ds(l * 16, 16)] = jnp.zeros((16,), jnp.float32)
        return 0

    lax.fori_loop(0, CH, zfill, 0)
    base = s * RPS
    for k in range(RPS // CH):
        pltpu.sync_copy(rows_v, acc.at[pl.ds(base + k * CH, CH)])
    plsc.subcore_barrier()

    pltpu.sync_copy(src_hbm.at[pl.ds(astart, LD)], src_v)
    pltpu.sync_copy(dst_hbm.at[pl.ds(astart, LD)], dst_v)

    def body(j, _):
        pltpu.async_copy(tab_hbm.at[src_v.at[off + j]], rows_v, sem).wait()
        pltpu.sync_copy(rows_v, acc.at[dst_v.at[off + j]], add=True)
        return 0

    lax.fori_loop(0, n, body, 0)
    plsc.subcore_barrier()
    for k in range(RPS // CH):
        pltpu.sync_copy(acc.at[pl.ds(base + k * CH, CH)],
                        out_hbm.at[c, pl.ds(base + k * CH, CH)])


def _dis(d_ref):
    deg = d_ref[0, :, 0:1] + d_ref[1, :, 0:1] + 1.0
    return lax.rsqrt(deg)


def _tc1_body(x_ref, w_ref, d_ref, o_ref):
    o_ref[...] = jnp.dot(x_ref[...], w_ref[...],
                         preferred_element_type=jnp.float32) * _dis(d_ref)


def _tc2_body(s_ref, h1p_ref, d_ref, w_ref, b_ref, o_ref):
    dis = _dis(d_ref)
    h = (s_ref[0] + s_ref[1] + h1p_ref[...]) * dis + b_ref[...]
    h = jnp.maximum(h, 0.0)
    o_ref[...] = jnp.dot(h, w_ref[...],
                         preferred_element_type=jnp.float32) * dis


def _tc3_body(s_ref, h2p_ref, d_ref, b_ref, mu_ref, ls_ref):
    dis = _dis(d_ref)
    o = (s_ref[0] + s_ref[1] + h2p_ref[...]) * dis + b_ref[...]
    mu_ref[...] = o[:, :64]
    ls_ref[...] = o[:, 64:]


_row_spec = pl.BlockSpec((MB, F), lambda i: (i, 0))
_deg_spec = pl.BlockSpec((2, MB, 16), lambda i: (0, i, 0))
_s_spec = pl.BlockSpec((2, MB, F), lambda i: (0, i, 0))
_w_spec = pl.BlockSpec((F, F), lambda i: (0, 0))
_b_spec = pl.BlockSpec((1, F), lambda i: (0, 0))
_out_struct = jax.ShapeDtypeStruct((N, F), jnp.float32)

_tc1 = pl.pallas_call(
    _tc1_body, grid=(N // MB,),
    in_specs=[_row_spec, _w_spec, _deg_spec],
    out_specs=_row_spec, out_shape=_out_struct)

_tc2 = pl.pallas_call(
    _tc2_body, grid=(N // MB,),
    in_specs=[_s_spec, _row_spec, _deg_spec, _w_spec, _b_spec],
    out_specs=_row_spec, out_shape=_out_struct)

_half_spec = pl.BlockSpec((MB, 64), lambda i: (i, 0))
_half_struct = jax.ShapeDtypeStruct((N, 64), jnp.float32)
_tc3 = pl.pallas_call(
    _tc3_body, grid=(N // MB,),
    in_specs=[_s_spec, _row_spec, _deg_spec, _b_spec],
    out_specs=[_half_spec, _half_spec], out_shape=[_half_struct, _half_struct])


def kernel(x, edge_index, W1, b1, W_mu, b_mu, W_ls, b_ls):
    ei = edge_index.astype(jnp.int32)
    pad = NROW * CH - E
    src_p = jnp.concatenate(
        [ei[0], jnp.zeros((pad,), jnp.int32)]).reshape(NROW, CH)
    dst_p = jnp.concatenate(
        [ei[1], jnp.zeros((pad,), jnp.int32)]).reshape(NROW, CH)

    degs = _deg_kernel(dst_p)

    h1p = _tc1(x, W1, degs)
    s1 = _scatter_kernel(h1p, src_p, dst_p)

    Wcat = jnp.concatenate([W_mu, W_ls], axis=1)
    bcat = jnp.concatenate([b_mu, b_ls]).reshape(1, F)
    h2p = _tc2(s1, h1p, degs, Wcat, b1.reshape(1, F))
    s2 = _scatter_kernel(h2p, src_p, dst_p)

    mu, ls = _tc3(s2, h2p, degs, bcat)
    return mu, ls

# --- scband reference (transcript-rebuilt; emitter-appended) ---
"""Pipeline reference for scband-variational-gcnencoder-86474871537723 (READ-ONLY COPY).

The authoritative reference and input builder live on the scoring server;
editing this copy changes nothing except your own understanding.
"""

import jax, jax.numpy as jnp
import numpy as np

N_NODES = 10000


def gcn_conv(x, edge_index, W, b):
    # Faithful PyG GCNConv: linear transform, add self-loops, symmetric norm, scatter-add, bias.
    n = x.shape[0]
    src = edge_index[0]
    dst = edge_index[1]
    loop = jnp.arange(n, dtype=src.dtype)
    src = jnp.concatenate([src, loop])
    dst = jnp.concatenate([dst, loop])
    # gcn_norm: deg computed on destination (col) with unit edge weights
    deg = jnp.zeros((n,), dtype=x.dtype).at[dst].add(1.0)
    deg_inv_sqrt = jnp.where(deg > 0, 1.0 / jnp.sqrt(deg), 0.0)
    norm = deg_inv_sqrt[src] * deg_inv_sqrt[dst]
    h = x @ W
    msg = h[src] * norm[:, None]
    out = jnp.zeros((n, h.shape[1]), dtype=x.dtype).at[dst].add(msg)
    return out + b


def setup_inputs(seed: int = 0) -> dict:
    key = jax.random.key(seed)
    k_x, k_e, k1, k2, k3 = jax.random.split(key, 5)
    in_ch, hid_ch, out_ch = 128, 128, 64
    n_edges = 320000
    x = jax.random.normal(k_x, (N_NODES, in_ch), dtype=jnp.float32)
    edge_index = jax.random.randint(k_e, (2, n_edges), 0, N_NODES, dtype=jnp.int64)
    s1 = 1.0 / np.sqrt(in_ch)
    s2 = 1.0 / np.sqrt(hid_ch)
    W1 = jax.random.uniform(k1, (in_ch, hid_ch), dtype=jnp.float32, minval=-s1, maxval=s1)
    b1 = jnp.zeros((hid_ch,), dtype=jnp.float32)
    W_mu = jax.random.uniform(k2, (hid_ch, out_ch), dtype=jnp.float32, minval=-s2, maxval=s2)
    b_mu = jnp.zeros((out_ch,), dtype=jnp.float32)
    W_ls = jax.random.uniform(k3, (hid_ch, out_ch), dtype=jnp.float32, minval=-s2, maxval=s2)
    b_ls = jnp.zeros((out_ch,), dtype=jnp.float32)
    return {"x": x, "edge_index": edge_index, "W1": W1, "b1": b1,
            "W_mu": W_mu, "b_mu": b_mu, "W_ls": W_ls, "b_ls": b_ls}


def reference(x, edge_index, W1, b1, W_mu, b_mu, W_ls, b_ls):
    h = gcn_conv(x, edge_index, W1, b1)
    h = jax.nn.relu(h)
    mu = gcn_conv(h, edge_index, W_mu, b_mu)
    logstd = gcn_conv(h, edge_index, W_ls, b_ls)
    return (mu, logstd)

if __name__ == "__main__":
    import jax
    _d = setup_inputs()
    print(jax.jit(kernel)(*tuple(_d.values())))

</pallas_src>

<mosaic_0001>
#map = affine_map<(d0, d1) -> (0, 0)>
#map1 = affine_map<(d0, d1) -> (0, 0, 0)>
module attributes {stable_mosaic.version = 14 : i64} {
  func.func @_scatter_kernel(%arg0: i32, %arg1: i32, %arg2: memref<10000x128xf32, #tpu.memory_space<hbm>>, %arg3: memref<2504x128xi32, #tpu.memory_space<hbm>>, %arg4: memref<2504x128xi32, #tpu.memory_space<hbm>>, %arg5: memref<2x10240x128xf32, #tpu.memory_space<hbm>>, %arg6: memref<88x128xi32, #tpu.memory_space<vmem>>, %arg7: memref<88x128xi32, #tpu.memory_space<vmem>>, %arg8: memref<128x128xf32, #tpu.memory_space<vmem>>, %arg9: memref<10240x128xf32, #tpu.memory_space<vmem_shared>>, %arg10: memref<!tpu.dma_semaphore, #tpu.memory_space<semaphore_mem>>) attributes {dimension_semantics = [#tpu.dimension_semantics<core_parallel>, #tpu.dimension_semantics<subcore_parallel>], iteration_bounds = array<i64: 2, 16>, scalar_prefetch = 0 : i64, scratch_operands = 5 : i64, tpu.core_type = #tpu.core_type<sc_vector_subcore>, window_params = [{transform_indices = #map}, {transform_indices = #map}, {transform_indices = #map}, {transform_indices = #map1}]} {
    %mul3A = arith.constant 2 : i32
    %mul3A_0 = arith.muli %arg1, %mul3A : i32
    %add3A = arith.addi %mul3A_0, %arg0 : i32
    %lt3A = arith.constant 4 : i32
    %lt3A_1 = arith.cmpi slt, %add3A, %lt3A : i32
    %jit3A = arith.constant 79 : i32
    %jit3A_2 = arith.constant 78 : i32
    %select_n3A = arith.select %lt3A_1, %jit3A, %jit3A_2 : i32
    %mul3A_3 = arith.constant 78 : i32
    %mul3A_4 = arith.muli %mul3A_3, %add3A : i32
    %min3A = arith.constant 4 : i32
    %min3A_5 = arith.minsi %add3A, %min3A : i32
    %add3A_6 = arith.addi %mul3A_4, %min3A_5 : i32
    %jit3A_7 = arith.constant 8 : i32
    %div3A = arith.divsi %add3A_6, %jit3A_7 : i32
    %sign3A = arith.constant 0 : i32
    %sign3A_8 = arith.cmpi sgt, %add3A_6, %sign3A : i32
    %sign3A_9 = arith.extui %sign3A_8 : i1 to i32
    %sign3A_10 = arith.constant 0 : i32
    %sign3A_11 = arith.cmpi slt, %add3A_6, %sign3A_10 : i32
    %sign3A_12 = arith.extui %sign3A_11 : i1 to i32
    %sign3A_13 = arith.subi %sign3A_9, %sign3A_12 : i32
    %sign3A_14 = arith.constant 0 : i32
    %sign3A_15 = arith.cmpi sgt, %jit3A_7, %sign3A_14 : i32
    %sign3A_16 = arith.extui %sign3A_15 : i1 to i32
    %sign3A_17 = arith.constant 0 : i32
    %sign3A_18 = arith.cmpi slt, %jit3A_7, %sign3A_17 : i32
    %sign3A_19 = arith.extui %sign3A_18 : i1 to i32
    %sign3A_20 = arith.subi %sign3A_16, %sign3A_19 : i32
    %ne3A = arith.cmpi ne, %sign3A_13, %sign3A_20 : i32
    %rem3A = arith.remsi %add3A_6, %jit3A_7 : i32
    %ne3A_21 = arith.constant 0 : i32
    %ne3A_22 = arith.cmpi ne, %rem3A, %ne3A_21 : i32
    %and3A = arith.andi %ne3A, %ne3A_22 : i1
    %sub3A = arith.constant 1 : i32
    %sub3A_23 = arith.subi %div3A, %sub3A : i32
    %select_n3A_24 = arith.select %and3A, %sub3A_23, %div3A : i32
    %mul3A_25 = arith.constant 8 : i32
    %mul3A_26 = arith.muli %select_n3A_24, %mul3A_25 : i32
    %sub3A_27 = arith.subi %add3A_6, %mul3A_26 : i32
    %scan3A = arith.constant 0 : i32
    %scan3A_28 = arith.constant 0 : i32
    %scan3A_29 = arith.constant 128 : i32
    %scan3A_30 = arith.addi %scan3A_28, %scan3A_29 : i32
    %scan3A_31 = arith.constant 1 : i32
    %scan3A_32 = scf.for %scan3A_78 = %scan3A_28 to %scan3A_30 step %scan3A_31 iter_args(%scan3A_79 = %scan3A) -> (i32)  : i32 {
      %broadcast_in_dim3A = arith.constant 0.000000e+00 : f32
      %broadcast_in_dim3A_80 = vector.broadcast %broadcast_in_dim3A : f32 to vector<16xf32>
      %swap3A = arith.index_cast %scan3A_78 : i32 to index
      %swap3A_81 = arith.constant 0 : index
      %swap3A_82 = tpu.vector_load %arg8[%swap3A, %swap3A_81] {strides = array<i32>} : memref<128x128xf32, #tpu.memory_space<vmem>>, vector<1x16xf32>,
      %swap3A_83 = vector.shape_cast %swap3A_82 : vector<1x16xf32> to vector<16xf32>
      %swap3A_84 = vector.shape_cast %broadcast_in_dim3A_80 : vector<16xf32> to vector<1x16xf32>
      tpu.vector_store %arg8[%swap3A, %swap3A_81], %swap3A_84 {strides = array<i32>} : memref<128x128xf32, #tpu.memory_space<vmem>>, vector<1x16xf32>,
      %broadcast_in_dim3A_85 = arith.constant 0.000000e+00 : f32
      %broadcast_in_dim3A_86 = vector.broadcast %broadcast_in_dim3A_85 : f32 to vector<16xf32>
      %swap3A_87 = arith.index_cast %scan3A_78 : i32 to index
      %swap3A_88 = arith.constant 16 : index
      %swap3A_89 = tpu.vector_load %arg8[%swap3A_87, %swap3A_88] {strides = array<i32>} : memref<128x128xf32, #tpu.memory_space<vmem>>, vector<1x16xf32>,
      %swap3A_90 = vector.shape_cast %swap3A_89 : vector<1x16xf32> to vector<16xf32>
      %swap3A_91 = vector.shape_cast %broadcast_in_dim3A_86 : vector<16xf32> to vector<1x16xf32>
      tpu.vector_store %arg8[%swap3A_87, %swap3A_88], %swap3A_91 {strides = array<i32>} : memref<128x128xf32, #tpu.memory_space<vmem>>, vector<1x16xf32>,
      %broadcast_in_dim3A_92 = arith.constant 0.000000e+00 : f32
      %broadcast_in_dim3A_93 = vector.broadcast %broadcast_in_dim3A_92 : f32 to vector<16xf32>
      %swap3A_94 = arith.index_cast %scan3A_78 : i32 to index
      %swap3A_95 = arith.constant 32 : index
      %swap3A_96 = tpu.vector_load %arg8[%swap3A_94, %swap3A_95] {strides = array<i32>} : memref<128x128xf32, #tpu.memory_space<vmem>>, vector<1x16xf32>,
      %swap3A_97 = vector.shape_cast %swap3A_96 : vector<1x16xf32> to vector<16xf32>
      %swap3A_98 = vector.shape_cast %broadcast_in_dim3A_93 : vector<16xf32> to vector<1x16xf32>
      tpu.vector_store %arg8[%swap3A_94, %swap3A_95], %swap3A_98 {strides = array<i32>} : memref<128x128xf32, #tpu.memory_space<vmem>>, vector<1x16xf32>,
      %broadcast_in_dim3A_99 = arith.constant 0.000000e+00 : f32
      %broadcast_in_dim3A_100 = vector.broadcast %broadcast_in_dim3A_99 : f32 to vector<16xf32>
      %swap3A_101 = arith.index_cast %scan3A_78 : i32 to index
      %swap3A_102 = arith.constant 48 : index
      %swap3A_103 = tpu.vector_load %arg8[%swap3A_101, %swap3A_102] {strides = array<i32>} : memref<128x128xf32, #tpu.memory_space<vmem>>, vector<1x16xf32>,
      %swap3A_104 = vector.shape_cast %swap3A_103 : vector<1x16xf32> to vector<16xf32>
      %swap3A_105 = vector.shape_cast %broadcast_in_dim3A_100 : vector<16xf32> to vector<1x16xf32>
      tpu.vector_store %arg8[%swap3A_101, %swap3A_102], %swap3A_105 {strides = array<i32>} : memref<128x128xf32, #tpu.memory_space<vmem>>, vector<1x16xf32>,
      %broadcast_in_dim3A_106 = arith.constant 0.000000e+00 : f32
      %broadcast_in_dim3A_107 = vector.broadcast %broadcast_in_dim3A_106 : f32 to vector<16xf32>
      %swap3A_108 = arith.index_cast %scan3A_78 : i32 to index
      %swap3A_109 = arith.constant 64 : index
      %swap3A_110 = tpu.vector_load %arg8[%swap3A_108, %swap3A_109] {strides = array<i32>} : memref<128x128xf32, #tpu.memory_space<vmem>>, vector<1x16xf32>,
      %swap3A_111 = vector.shape_cast %swap3A_110 : vector<1x16xf32> to vector<16xf32>
      %swap3A_112 = vector.shape_cast %broadcast_in_dim3A_107 : vector<16xf32> to vector<1x16xf32>
      tpu.vector_store %arg8[%swap3A_108, %swap3A_109], %swap3A_112 {strides = array<i32>} : memref<128x128xf32, #tpu.memory_space<vmem>>, vector<1x16xf32>,
      %broadcast_in_dim3A_113 = arith.constant 0.000000e+00 : f32
      %broadcast_in_dim3A_114 = vector.broadcast %broadcast_in_dim3A_113 : f32 to vector<16xf32>
      %swap3A_115 = arith.index_cast %scan3A_78 : i32 to index
      %swap3A_116 = arith.constant 80 : index
      %swap3A_117 = tpu.vector_load %arg8[%swap3A_115, %swap3A_116] {strides = array<i32>} : memref<128x128xf32, #tpu.memory_space<vmem>>, vector<1x16xf32>,
      %swap3A_118 = vector.shape_cast %swap3A_117 : vector<1x16xf32> to vector<16xf32>
      %swap3A_119 = vector.shape_cast %broadcast_in_dim3A_114 : vector<16xf32> to vector<1x16xf32>
      tpu.vector_store %arg8[%swap3A_115, %swap3A_116], %swap3A_119 {strides = array<i32>} : memref<128x128xf32, #tpu.memory_space<vmem>>, vector<1x16xf32>,
      %broadcast_in_dim3A_120 = arith.constant 0.000000e+00 : f32
      %broadcast_in_dim3A_121 = vector.broadcast %broadcast_in_dim3A_120 : f32 to vector<16xf32>
      %swap3A_122 = arith.index_cast %scan3A_78 : i32 to index
      %swap3A_123 = arith.constant 96 : index
      %swap3A_124 = tpu.vector_load %arg8[%swap3A_122, %swap3A_123] {strides = array<i32>} : memref<128x128xf32, #tpu.memory_space<vmem>>, vector<1x16xf32>,
      %swap3A_125 = vector.shape_cast %swap3A_124 : vector<1x16xf32> to vector<16xf32>
      %swap3A_126 = vector.shape_cast %broadcast_in_dim3A_121 : vector<16xf32> to vector<1x16xf32>
      tpu.vector_store %arg8[%swap3A_122, %swap3A_123], %swap3A_126 {strides = array<i32>} : memref<128x128xf32, #tpu.memory_space<vmem>>, vector<1x16xf32>,
      %broadcast_in_dim3A_127 = arith.constant 0.000000e+00 : f32
      %broadcast_in_dim3A_128 = vector.broadcast %broadcast_in_dim3A_127 : f32 to vector<16xf32>
      %swap3A_129 = arith.index_cast %scan3A_78 : i32 to index
      %swap3A_130 = arith.constant 112 : index
      %swap3A_131 = tpu.vector_load %arg8[%swap3A_129, %swap3A_130] {strides = array<i32>} : memref<128x128xf32, #tpu.memory_space<vmem>>, vector<1x16xf32>,
      %swap3A_132 = vector.shape_cast %swap3A_131 : vector<1x16xf32> to vector<16xf32>
      %swap3A_133 = vector.shape_cast %broadcast_in_dim3A_128 : vector<16xf32> to vector<1x16xf32>
      tpu.vector_store %arg8[%swap3A_129, %swap3A_130], %swap3A_133 {strides = array<i32>} : memref<128x128xf32, #tpu.memory_space<vmem>>, vector<1x16xf32>,
      %scan3A_134 = arith.constant 0 : i32
      scf.yield %scan3A_134 : i32
    }
    %scan3A_33 = arith.constant 128 : i32
    %mul3A_34 = arith.constant 640 : i32
    %mul3A_35 = arith.muli %arg1, %mul3A_34 : i32
    %add3A_36 = arith.constant 0 : i32
    %add3A_37 = arith.addi %mul3A_35, %add3A_36 : i32
    "tpu.region"() ({
      %run_scoped3A = tpu.sem_alloc : memref<!tpu.dma_semaphore, #tpu.memory_space<semaphore_mem>>
      %dma_start3A = arith.constant 0 : i32
      %dma_start3A_78 = tpu.memref_slice %arg9[%add3A_37, %dma_start3A] : memref<10240x128xf32, #tpu.memory_space<vmem_shared>> -> memref<128x128xf32, #tpu.memory_space<vmem_shared>>
      %dma_start3A_79 = arith.constant 0 : i32
      %dma_start3A_80 = tpu.memref_slice %arg9[%add3A_37, %dma_start3A_79] : memref<10240x128xf32, #tpu.memory_space<vmem_shared>> -> memref<128x128xf32, #tpu.memory_space<vmem_shared>>
      tpu.enqueue_dma source(%arg8 : memref<128x128xf32, #tpu.memory_space<vmem>>) target(%dma_start3A_80 : memref<128x128xf32, #tpu.memory_space<vmem_shared>>) target_semaphore(%run_scoped3A : memref<!tpu.dma_semaphore, #tpu.memory_space<semaphore_mem>>)
      %dma_wait3A = arith.constant 0 : i32
      %dma_wait3A_81 = tpu.memref_slice %arg9[%add3A_37, %dma_wait3A] : memref<10240x128xf32, #tpu.memory_space<vmem_shared>> -> memref<128x128xf32, #tpu.memory_space<vmem_shared>>
      %dma_wait3A_82 = arith.constant 0 : i32
      %dma_wait3A_83 = tpu.memref_slice %arg9[%add3A_37, %dma_wait3A_82] : memref<10240x128xf32, #tpu.memory_space<vmem_shared>> -> memref<128x128xf32, #tpu.memory_space<vmem_shared>>
      tpu.wait_dma2 semaphore(%run_scoped3A : memref<!tpu.dma_semaphore, #tpu.memory_space<semaphore_mem>>) src(%arg8 : memref<128x128xf32, #tpu.memory_space<vmem>>) dst(%dma_wait3A_83 : memref<128x128xf32, #tpu.memory_space<vmem_shared>>)
      tpu.yield
    }) : () -> ()
    %add3A_38 = arith.constant 128 : i32
    %add3A_39 = arith.addi %mul3A_35, %add3A_38 : i32
    "tpu.region"() ({
      %run_scoped3A = tpu.sem_alloc : memref<!tpu.dma_semaphore, #tpu.memory_space<semaphore_mem>>
      %dma_start3A = arith.constant 0 : i32
      %dma_start3A_78 = tpu.memref_slice %arg9[%add3A_39, %dma_start3A] : memref<10240x128xf32, #tpu.memory_space<vmem_shared>> -> memref<128x128xf32, #tpu.memory_space<vmem_shared>>
      %dma_start3A_79 = arith.constant 0 : i32
      %dma_start3A_80 = tpu.memref_slice %arg9[%add3A_39, %dma_start3A_79] : memref<10240x128xf32, #tpu.memory_space<vmem_shared>> -> memref<128x128xf32, #tpu.memory_space<vmem_shared>>
      tpu.enqueue_dma source(%arg8 : memref<128x128xf32, #tpu.memory_space<vmem>>) target(%dma_start3A_80 : memref<128x128xf32, #tpu.memory_space<vmem_shared>>) target_semaphore(%run_scoped3A : memref<!tpu.dma_semaphore, #tpu.memory_space<semaphore_mem>>)
      %dma_wait3A = arith.constant 0 : i32
      %dma_wait3A_81 = tpu.memref_slice %arg9[%add3A_39, %dma_wait3A] : memref<10240x128xf32, #tpu.memory_space<vmem_shared>> -> memref<128x128xf32, #tpu.memory_space<vmem_shared>>
      %dma_wait3A_82 = arith.constant 0 : i32
      %dma_wait3A_83 = tpu.memref_slice %arg9[%add3A_39, %dma_wait3A_82] : memref<10240x128xf32, #tpu.memory_space<vmem_shared>> -> memref<128x128xf32, #tpu.memory_space<vmem_shared>>
      tpu.wait_dma2 semaphore(%run_scoped3A : memref<!tpu.dma_semaphore, #tpu.memory_space<semaphore_mem>>) src(%arg8 : memref<128x128xf32, #tpu.memory_space<vmem>>) dst(%dma_wait3A_83 : memref<128x128xf32, #tpu.memory_space<vmem_shared>>)
      tpu.yield
    }) : () -> ()
    %add3A_40 = arith.constant 256 : i32
    %add3A_41 = arith.addi %mul3A_35, %add3A_40 : i32
    "tpu.region"() ({
      %run_scoped3A = tpu.sem_alloc : memref<!tpu.dma_semaphore, #tpu.memory_space<semaphore_mem>>
      %dma_start3A = arith.constant 0 : i32
      %dma_start3A_78 = tpu.memref_slice %arg9[%add3A_41, %dma_start3A] : memref<10240x128xf32, #tpu.memory_space<vmem_shared>> -> memref<128x128xf32, #tpu.memory_space<vmem_shared>>
      %dma_start3A_79 = arith.constant 0 : i32
      %dma_start3A_80 = tpu.memref_slice %arg9[%add3A_41, %dma_start3A_79] : memref<10240x128xf32, #tpu.memory_space<vmem_shared>> -> memref<128x128xf32, #tpu.memory_space<vmem_shared>>
      tpu.enqueue_dma source(%arg8 : memref<128x128xf32, #tpu.memory_space<vmem>>) target(%dma_start3A_80 : memref<128x128xf32, #tpu.memory_space<vmem_shared>>) target_semaphore(%run_scoped3A : memref<!tpu.dma_semaphore, #tpu.memory_space<semaphore_mem>>)
      %dma_wait3A = arith.constant 0 : i32
      %dma_wait3A_81 = tpu.memref_slice %arg9[%add3A_41, %dma_wait3A] : memref<10240x128xf32, #tpu.memory_space<vmem_shared>> -> memref<128x128xf32, #tpu.memory_space<vmem_shared>>
      %dma_wait3A_82 = arith.constant 0 : i32
      %dma_wait3A_83 = tpu.memref_slice %arg9[%add3A_41, %dma_wait3A_82] : memref<10240x128xf32, #tpu.memory_space<vmem_shared>> -> memref<128x128xf32, #tpu.memory_space<vmem_shared>>
      tpu.wait_dma2 semaphore(%run_scoped3A : memref<!tpu.dma_semaphore, #tpu.memory_space<semaphore_mem>>) src(%arg8 : memref<128x128xf32, #tpu.memory_space<vmem>>) dst(%dma_wait3A_83 : memref<128x128xf32, #tpu.memory_space<vmem_shared>>)
      tpu.yield
    }) : () -> ()
    %add3A_42 = arith.constant 384 : i32
    %add3A_43 = arith.addi %mul3A_35, %add3A_42 : i32
    "tpu.region"() ({
      %run_scoped3A = tpu.sem_alloc : memref<!tpu.dma_semaphore, #tpu.memory_space<semaphore_mem>>
      %dma_start3A = arith.constant 0 : i32
      %dma_start3A_78 = tpu.memref_slice %arg9[%add3A_43, %dma_start3A] : memref<10240x128xf32, #tpu.memory_space<vmem_shared>> -> memref<128x128xf32, #tpu.memory_space<vmem_shared>>
      %dma_start3A_79 = arith.constant 0 : i32
      %dma_start3A_80 = tpu.memref_slice %arg9[%add3A_43, %dma_start3A_79] : memref<10240x128xf32, #tpu.memory_space<vmem_shared>> -> memref<128x128xf32, #tpu.memory_space<vmem_shared>>
      tpu.enqueue_dma source(%arg8 : memref<128x128xf32, #tpu.memory_space<vmem>>) target(%dma_start3A_80 : memref<128x128xf32, #tpu.memory_space<vmem_shared>>) target_semaphore(%run_scoped3A : memref<!tpu.dma_semaphore, #tpu.memory_space<semaphore_mem>>)
      %dma_wait3A = arith.constant 0 : i32
      %dma_wait3A_81 = tpu.memref_slice %arg9[%add3A_43, %dma_wait3A] : memref<10240x128xf32, #tpu.memory_space<vmem_shared>> -> memref<128x128xf32, #tpu.memory_space<vmem_shared>>
      %dma_wait3A_82 = arith.constant 0 : i32
      %dma_wait3A_83 = tpu.memref_slice %arg9[%add3A_43, %dma_wait3A_82] : memref<10240x128xf32, #tpu.memory_space<vmem_shared>> -> memref<128x128xf32, #tpu.memory_space<vmem_shared>>
      tpu.wait_dma2 semaphore(%run_scoped3A : memref<!tpu.dma_semaphore, #tpu.memory_space<semaphore_mem>>) src(%arg8 : memref<128x128xf32, #tpu.memory_space<vmem>>) dst(%dma_wait3A_83 : memref<128x128xf32, #tpu.memory_space<vmem_shared>>)
      tpu.yield
    }) : () -> ()
    %add3A_44 = arith.constant 512 : i32
    %add3A_45 = arith.addi %mul3A_35, %add3A_44 : i32
    "tpu.region"() ({
      %run_scoped3A = tpu.sem_alloc : memref<!tpu.dma_semaphore, #tpu.memory_space<semaphore_mem>>
      %dma_start3A = arith.constant 0 : i32
      %dma_start3A_78 = tpu.memref_slice %arg9[%add3A_45, %dma_start3A] : memref<10240x128xf32, #tpu.memory_space<vmem_shared>> -> memref<128x128xf32, #tpu.memory_space<vmem_shared>>
      %dma_start3A_79 = arith.constant 0 : i32
      %dma_start3A_80 = tpu.memref_slice %arg9[%add3A_45, %dma_start3A_79] : memref<10240x128xf32, #tpu.memory_space<vmem_shared>> -> memref<128x128xf32, #tpu.memory_space<vmem_shared>>
      tpu.enqueue_dma source(%arg8 : memref<128x128xf32, #tpu.memory_space<vmem>>) target(%dma_start3A_80 : memref<128x128xf32, #tpu.memory_space<vmem_shared>>) target_semaphore(%run_scoped3A : memref<!tpu.dma_semaphore, #tpu.memory_space<semaphore_mem>>)
      %dma_wait3A = arith.constant 0 : i32
      %dma_wait3A_81 = tpu.memref_slice %arg9[%add3A_45, %dma_wait3A] : memref<10240x128xf32, #tpu.memory_space<vmem_shared>> -> memref<128x128xf32, #tpu.memory_space<vmem_shared>>
      %dma_wait3A_82 = arith.constant 0 : i32
      %dma_wait3A_83 = tpu.memref_slice %arg9[%add3A_45, %dma_wait3A_82] : memref<10240x128xf32, #tpu.memory_space<vmem_shared>> -> memref<128x128xf32, #tpu.memory_space<vmem_shared>>
      tpu.wait_dma2 semaphore(%run_scoped3A : memref<!tpu.dma_semaphore, #tpu.memory_space<semaphore_mem>>) src(%arg8 : memref<128x128xf32, #tpu.memory_space<vmem>>) dst(%dma_wait3A_83 : memref<128x128xf32, #tpu.memory_space<vmem_shared>>)
      tpu.yield
    }) : () -> ()
    %barrier3A = arith.constant 0 : index
    tpu.barrier barrier_id(%barrier3A)
    "tpu.region"() ({
      %run_scoped3A = tpu.sem_alloc : memref<!tpu.dma_semaphore, #tpu.memory_space<semaphore_mem>>
      %dma_start3A = arith.constant 0 : i32
      %dma_start3A_78 = tpu.memref_slice %arg3[%mul3A_26, %dma_start3A] : memref<2504x128xi32, #tpu.memory_space<hbm>> -> memref<88x128xi32, #tpu.memory_space<hbm>>
      %dma_start3A_79 = arith.constant 0 : i32
      %dma_start3A_80 = tpu.memref_slice %arg3[%mul3A_26, %dma_start3A_79] : memref<2504x128xi32, #tpu.memory_space<hbm>> -> memref<88x128xi32, #tpu.memory_space<hbm>>
      tpu.enqueue_dma source(%dma_start3A_80 : memref<88x128xi32, #tpu.memory_space<hbm>>) target(%arg6 : memref<88x128xi32, #tpu.memory_space<vmem>>) target_semaphore(%run_scoped3A : memref<!tpu.dma_semaphore, #tpu.memory_space<semaphore_mem>>)
      %dma_wait3A = arith.constant 0 : i32
      %dma_wait3A_81 = tpu.memref_slice %arg3[%mul3A_26, %dma_wait3A] : memref<2504x128xi32, #tpu.memory_space<hbm>> -> memref<88x128xi32, #tpu.memory_space<hbm>>
      %dma_wait3A_82 = arith.constant 0 : i32
      %dma_wait3A_83 = tpu.memref_slice %arg3[%mul3A_26, %dma_wait3A_82] : memref<2504x128xi32, #tpu.memory_space<hbm>> -> memref<88x128xi32, #tpu.memory_space<hbm>>
      tpu.wait_dma2 semaphore(%run_scoped3A : memref<!tpu.dma_semaphore, #tpu.memory_space<semaphore_mem>>) src(%dma_wait3A_83 : memref<88x128xi32, #tpu.memory_space<hbm>>) dst(%arg6 : memref<88x128xi32, #tpu.memory_space<vmem>>)
      tpu.yield
    }) : () -> ()
    "tpu.region"() ({
      %run_scoped3A = tpu.sem_alloc : memref<!tpu.dma_semaphore, #tpu.memory_space<semaphore_mem>>
      %dma_start3A = arith.constant 0 : i32
      %dma_start3A_78 = tpu.memref_slice %arg4[%mul3A_26, %dma_start3A] : memref<2504x128xi32, #tpu.memory_space<hbm>> -> memref<88x128xi32, #tpu.memory_space<hbm>>
      %dma_start3A_79 = arith.constant 0 : i32
      %dma_start3A_80 = tpu.memref_slice %arg4[%mul3A_26, %dma_start3A_79] : memref<2504x128xi32, #tpu.memory_space<hbm>> -> memref<88x128xi32, #tpu.memory_space<hbm>>
      tpu.enqueue_dma source(%dma_start3A_80 : memref<88x128xi32, #tpu.memory_space<hbm>>) target(%arg7 : memref<88x128xi32, #tpu.memory_space<vmem>>) target_semaphore(%run_scoped3A : memref<!tpu.dma_semaphore, #tpu.memory_space<semaphore_mem>>)
      %dma_wait3A = arith.constant 0 : i32
      %dma_wait3A_81 = tpu.memref_slice %arg4[%mul3A_26, %dma_wait3A] : memref<2504x128xi32, #tpu.memory_space<hbm>> -> memref<88x128xi32, #tpu.memory_space<hbm>>
      %dma_wait3A_82 = arith.constant 0 : i32
      %dma_wait3A_83 = tpu.memref_slice %arg4[%mul3A_26, %dma_wait3A_82] : memref<2504x128xi32, #tpu.memory_space<hbm>> -> memref<88x128xi32, #tpu.memory_space<hbm>>
      tpu.wait_dma2 semaphore(%run_scoped3A : memref<!tpu.dma_semaphore, #tpu.memory_space<semaphore_mem>>) src(%dma_wait3A_83 : memref<88x128xi32, #tpu.memory_space<hbm>>) dst(%arg7 : memref<88x128xi32, #tpu.memory_space<vmem>>)
      tpu.yield
    }) : () -> ()
    %while3A = arith.constant 0 : i32
    %while3A_46 = arith.constant 0 : i32
    %while3A_47 = arith.subi %select_n3A, %while3A : i32
    %while3A_48 = arith.addi %while3A, %while3A_47 : i32
    %while3A_49 = arith.constant 1 : i32
    %while3A_50 = arith.divsi %while3A_47, %while3A_49 : i32
    %while3A_51 = arith.muli %while3A_50, %while3A_49 : i32
    %while3A_52 = arith.addi %while3A, %while3A_51 : i32
    %while3A_53 = arith.constant 1 : i32
    %while3A_54 = scf.for %while3A_78 = %while3A to %while3A_52 step %while3A_53 iter_args(%while3A_79 = %while3A_46) -> (i32)  : i32 {
      %add3A_80 = arith.addi %sub3A_27, %while3A_78 : i32
      %dma_start3A = arith.constant 0 : i32
      %dma_start3A_81 = tpu.memref_slice %arg6[%add3A_80, %dma_start3A] : memref<88x128xi32, #tpu.memory_space<vmem>> -> memref<1x128xi32, #tpu.memory_space<vmem>>
      %dma_start3A_82 = tpu.memref_squeeze %dma_start3A_81 : memref<1x128xi32, #tpu.memory_space<vmem>> -> memref<128xi32, #tpu.memory_space<vmem>>
      %dma_start3A_83 = arith.constant 0 : i32
      %dma_start3A_84 = arith.constant 0 : i32
      %dma_start3A_85 = tpu.memref_slice %arg2[%dma_start3A_83, %dma_start3A_84] : memref<10000x128xf32, #tpu.memory_space<hbm>> -> memref<10000x128xf32, #tpu.memory_space<hbm>>
      tpu.enqueue_indirect_dma source(%dma_start3A_85 : memref<10000x128xf32, #tpu.memory_space<hbm>>) target(%arg8 : memref<128x128xf32, #tpu.memory_space<vmem>>) offsets(%dma_start3A_82 : memref<128xi32, #tpu.memory_space<vmem>>) semaphore(%arg10 : memref<!tpu.dma_semaphore, #tpu.memory_space<semaphore_mem>>)
      %dma_wait3A = arith.constant 0 : i32
      %dma_wait3A_86 = tpu.memref_slice %arg6[%add3A_80, %dma_wait3A] : memref<88x128xi32, #tpu.memory_space<vmem>> -> memref<1x128xi32, #tpu.memory_space<vmem>>
      %dma_wait3A_87 = tpu.memref_squeeze %dma_wait3A_86 : memref<1x128xi32, #tpu.memory_space<vmem>> -> memref<128xi32, #tpu.memory_space<vmem>>
      %dma_wait3A_88 = arith.constant 0 : i32
      %dma_wait3A_89 = arith.constant 0 : i32
      %dma_wait3A_90 = tpu.memref_slice %arg2[%dma_wait3A_88, %dma_wait3A_89] : memref<10000x128xf32, #tpu.memory_space<hbm>> -> memref<10000x128xf32, #tpu.memory_space<hbm>>
      tpu.wait_indirect_dma semaphore(%arg10 : memref<!tpu.dma_semaphore, #tpu.memory_space<semaphore_mem>>) src(%dma_wait3A_90 : memref<10000x128xf32, #tpu.memory_space<hbm>>) dst(%arg8 : memref<128x128xf32, #tpu.memory_space<vmem>>)
      %add3A_91 = arith.addi %sub3A_27, %while3A_78 : i32
      "tpu.region"() ({
        %run_scoped3A = tpu.sem_alloc : memref<!tpu.dma_semaphore, #tpu.memory_space<semaphore_mem>>
        %dma_start3A_93 = arith.constant 0 : i32
        %dma_start3A_94 = tpu.memref_slice %arg7[%add3A_91, %dma_start3A_93] : memref<88x128xi32, #tpu.memory_space<vmem>> -> memref<1x128xi32, #tpu.memory_space<vmem>>
        %dma_start3A_95 = tpu.memref_squeeze %dma_start3A_94 : memref<1x128xi32, #tpu.memory_space<vmem>> -> memref<128xi32, #tpu.memory_space<vmem>>
        %dma_start3A_96 = arith.constant 0 : i32
        %dma_start3A_97 = arith.constant 0 : i32
        %dma_start3A_98 = tpu.memref_slice %arg9[%dma_start3A_96, %dma_start3A_97] : memref<10240x128xf32, #tpu.memory_space<vmem_shared>> -> memref<10240x128xf32, #tpu.memory_space<vmem_shared>>
        tpu.enqueue_indirect_dma source(%arg8 : memref<128x128xf32, #tpu.memory_space<vmem>>) target(%dma_start3A_98 : memref<10240x128xf32, #tpu.memory_space<vmem_shared>>) offsets(%dma_start3A_95 : memref<128xi32, #tpu.memory_space<vmem>>) semaphore(%run_scoped3A : memref<!tpu.dma_semaphore, #tpu.memory_space<semaphore_mem>>) {add = true}
        %dma_wait3A_99 = arith.constant 0 : i32
        %dma_wait3A_100 = tpu.memref_slice %arg7[%add3A_91, %dma_wait3A_99] : memref<88x128xi32, #tpu.memory_space<vmem>> -> memref<1x128xi32, #tpu.memory_space<vmem>>
        %dma_wait3A_101 = tpu.memref_squeeze %dma_wait3A_100 : memref<1x128xi32, #tpu.memory_space<vmem>> -> memref<128xi32, #tpu.memory_space<vmem>>
        %dma_wait3A_102 = arith.constant 0 : i32
        %dma_wait3A_103 = arith.constant 0 : i32
        %dma_wait3A_104 = tpu.memref_slice %arg9[%dma_wait3A_102, %dma_wait3A_103] : memref<10240x128xf32, #tpu.memory_space<vmem_shared>> -> memref<10240x128xf32, #tpu.memory_space<vmem_shared>>
        tpu.wait_indirect_dma semaphore(%run_scoped3A : memref<!tpu.dma_semaphore, #tpu.memory_space<semaphore_mem>>) src(%arg8 : memref<128x128xf32, #tpu.memory_space<vmem>>) dst(%dma_wait3A_104 : memref<10240x128xf32, #tpu.memory_space<vmem_shared>>)
        tpu.yield
      }) : () -> ()
      %while3A_92 = arith.constant 0 : i32
      scf.yield %while3A_92 : i32
    }
    %while3A_55 = arith.constant 1 : i32
    %while3A_56 = scf.for %while3A_78 = %while3A_52 to %while3A_48 step %while3A_55 iter_args(%while3A_79 = %while3A_54) -> (i32)  : i32 {
      %add3A_80 = arith.addi %sub3A_27, %while3A_78 : i32
      %dma_start3A = arith.constant 0 : i32
      %dma_start3A_81 = tpu.memref_slice %arg6[%add3A_80, %dma_start3A] : memref<88x128xi32, #tpu.memory_space<vmem>> -> memref<1x128xi32, #tpu.memory_space<vmem>>
      %dma_start3A_82 = tpu.memref_squeeze %dma_start3A_81 : memref<1x128xi32, #tpu.memory_space<vmem>> -> memref<128xi32, #tpu.memory_space<vmem>>
      %dma_start3A_83 = arith.constant 0 : i32
      %dma_start3A_84 = arith.constant 0 : i32
      %dma_start3A_85 = tpu.memref_slice %arg2[%dma_start3A_83, %dma_start3A_84] : memref<10000x128xf32, #tpu.memory_space<hbm>> -> memref<10000x128xf32, #tpu.memory_space<hbm>>
      tpu.enqueue_indirect_dma source(%dma_start3A_85 : memref<10000x128xf32, #tpu.memory_space<hbm>>) target(%arg8 : memref<128x128xf32, #tpu.memory_space<vmem>>) offsets(%dma_start3A_82 : memref<128xi32, #tpu.memory_space<vmem>>) semaphore(%arg10 : memref<!tpu.dma_semaphore, #tpu.memory_space<semaphore_mem>>)
      %dma_wait3A = arith.constant 0 : i32
      %dma_wait3A_86 = tpu.memref_slice %arg6[%add3A_80, %dma_wait3A] : memref<88x128xi32, #tpu.memory_space<vmem>> -> memref<1x128xi32, #tpu.memory_space<vmem>>
      %dma_wait3A_87 = tpu.memref_squeeze %dma_wait3A_86 : memref<1x128xi32, #tpu.memory_space<vmem>> -> memref<128xi32, #tpu.memory_space<vmem>>
      %dma_wait3A_88 = arith.constant 0 : i32
      %dma_wait3A_89 = arith.constant 0 : i32
      %dma_wait3A_90 = tpu.memref_slice %arg2[%dma_wait3A_88, %dma_wait3A_89] : memref<10000x128xf32, #tpu.memory_space<hbm>> -> memref<10000x128xf32, #tpu.memory_space<hbm>>
      tpu.wait_indirect_dma semaphore(%arg10 : memref<!tpu.dma_semaphore, #tpu.memory_space<semaphore_mem>>) src(%dma_wait3A_90 : memref<10000x128xf32, #tpu.memory_space<hbm>>) dst(%arg8 : memref<128x128xf32, #tpu.memory_space<vmem>>)
      %add3A_91 = arith.addi %sub3A_27, %while3A_78 : i32
      "tpu.region"() ({
        %run_scoped3A = tpu.sem_alloc : memref<!tpu.dma_semaphore, #tpu.memory_space<semaphore_mem>>
        %dma_start3A_93 = arith.constant 0 : i32
        %dma_start3A_94 = tpu.memref_slice %arg7[%add3A_91, %dma_start3A_93] : memref<88x128xi32, #tpu.memory_space<vmem>> -> memref<1x128xi32, #tpu.memory_space<vmem>>
        %dma_start3A_95 = tpu.memref_squeeze %dma_start3A_94 : memref<1x128xi32, #tpu.memory_space<vmem>> -> memref<128xi32, #tpu.memory_space<vmem>>
        %dma_start3A_96 = arith.constant 0 : i32
        %dma_start3A_97 = arith.constant 0 : i32
        %dma_start3A_98 = tpu.memref_slice %arg9[%dma_start3A_96, %dma_start3A_97] : memref<10240x128xf32, #tpu.memory_space<vmem_shared>> -> memref<10240x128xf32, #tpu.memory_space<vmem_shared>>
        tpu.enqueue_indirect_dma source(%arg8 : memref<128x128xf32, #tpu.memory_space<vmem>>) target(%dma_start3A_98 : memref<10240x128xf32, #tpu.memory_space<vmem_shared>>) offsets(%dma_start3A_95 : memref<128xi32, #tpu.memory_space<vmem>>) semaphore(%run_scoped3A : memref<!tpu.dma_semaphore, #tpu.memory_space<semaphore_mem>>) {add = true}
        %dma_wait3A_99 = arith.constant 0 : i32
        %dma_wait3A_100 = tpu.memref_slice %arg7[%add3A_91, %dma_wait3A_99] : memref<88x128xi32, #tpu.memory_space<vmem>> -> memref<1x128xi32, #tpu.memory_space<vmem>>
        %dma_wait3A_101 = tpu.memref_squeeze %dma_wait3A_100 : memref<1x128xi32, #tpu.memory_space<vmem>> -> memref<128xi32, #tpu.memory_space<vmem>>
        %dma_wait3A_102 = arith.constant 0 : i32
        %dma_wait3A_103 = arith.constant 0 : i32
        %dma_wait3A_104 = tpu.memref_slice %arg9[%dma_wait3A_102, %dma_wait3A_103] : memref<10240x128xf32, #tpu.memory_space<vmem_shared>> -> memref<10240x128xf32, #tpu.memory_space<vmem_shared>>
        tpu.wait_indirect_dma semaphore(%run_scoped3A : memref<!tpu.dma_semaphore, #tpu.memory_space<semaphore_mem>>) src(%arg8 : memref<128x128xf32, #tpu.memory_space<vmem>>) dst(%dma_wait3A_104 : memref<10240x128xf32, #tpu.memory_space<vmem_shared>>)
        tpu.yield
      }) : () -> ()
      %while3A_92 = arith.constant 0 : i32
      scf.yield %while3A_92 : i32
    }
    %barrier3A_57 = arith.constant 0 : index
    tpu.barrier barrier_id(%barrier3A_57)
    %add3A_58 = arith.constant 0 : i32
    %add3A_59 = arith.addi %mul3A_35, %add3A_58 : i32
    %add3A_60 = arith.constant 0 : i32
    %add3A_61 = arith.addi %mul3A_35, %add3A_60 : i32
    "tpu.region"() ({
      %run_scoped3A = tpu.sem_alloc : memref<!tpu.dma_semaphore, #tpu.memory_space<semaphore_mem>>
      %dma_start3A = arith.constant 0 : i32
      %dma_start3A_78 = tpu.memref_slice %arg5[%arg0, %add3A_61, %dma_start3A] : memref<2x10240x128xf32, #tpu.memory_space<hbm>> -> memref<1x128x128xf32, #tpu.memory_space<hbm>>
      %dma_start3A_79 = tpu.memref_squeeze %dma_start3A_78 : memref<1x128x128xf32, #tpu.memory_space<hbm>> -> memref<128x128xf32, #tpu.memory_space<hbm>>
      %dma_start3A_80 = arith.constant 0 : i32
      %dma_start3A_81 = tpu.memref_slice %arg9[%add3A_59, %dma_start3A_80] : memref<10240x128xf32, #tpu.memory_space<vmem_shared>> -> memref<128x128xf32, #tpu.memory_space<vmem_shared>>
      tpu.enqueue_dma source(%dma_start3A_81 : memref<128x128xf32, #tpu.memory_space<vmem_shared>>) target(%dma_start3A_79 : memref<128x128xf32, #tpu.memory_space<hbm>>) target_semaphore(%run_scoped3A : memref<!tpu.dma_semaphore, #tpu.memory_space<semaphore_mem>>)
      %dma_wait3A = arith.constant 0 : i32
      %dma_wait3A_82 = tpu.memref_slice %arg5[%arg0, %add3A_61, %dma_wait3A] : memref<2x10240x128xf32, #tpu.memory_space<hbm>> -> memref<1x128x128xf32, #tpu.memory_space<hbm>>
      %dma_wait3A_83 = tpu.memref_squeeze %dma_wait3A_82 : memref<1x128x128xf32, #tpu.memory_space<hbm>> -> memref<128x128xf32, #tpu.memory_space<hbm>>
      %dma_wait3A_84 = arith.constant 0 : i32
      %dma_wait3A_85 = tpu.memref_slice %arg9[%add3A_59, %dma_wait3A_84] : memref<10240x128xf32, #tpu.memory_space<vmem_shared>> -> memref<128x128xf32, #tpu.memory_space<vmem_shared>>
      tpu.wait_dma2 semaphore(%run_scoped3A : memref<!tpu.dma_semaphore, #tpu.memory_space<semaphore_mem>>) src(%dma_wait3A_85 : memref<128x128xf32, #tpu.memory_space<vmem_shared>>) dst(%dma_wait3A_83 : memref<128x128xf32, #tpu.memory_space<hbm>>)
      tpu.yield
    }) : () -> ()
    %add3A_62 = arith.constant 128 : i32
    %add3A_63 = arith.addi %mul3A_35, %add3A_62 : i32
    %add3A_64 = arith.constant 128 : i32
    %add3A_65 = arith.addi %mul3A_35, %add3A_64 : i32
    "tpu.region"() ({
      %run_scoped3A = tpu.sem_alloc : memref<!tpu.dma_semaphore, #tpu.memory_space<semaphore_mem>>
      %dma_start3A = arith.constant 0 : i32
      %dma_start3A_78 = tpu.memref_slice %arg5[%arg0, %add3A_65, %dma_start3A] : memref<2x10240x128xf32, #tpu.memory_space<hbm>> -> memref<1x128x128xf32, #tpu.memory_space<hbm>>
      %dma_start3A_79 = tpu.memref_squeeze %dma_start3A_78 : memref<1x128x128xf32, #tpu.memory_space<hbm>> -> memref<128x128xf32, #tpu.memory_space<hbm>>
      %dma_start3A_80 = arith.constant 0 : i32
      %dma_start3A_81 = tpu.memref_slice %arg9[%add3A_63, %dma_start3A_80] : memref<10240x128xf32, #tpu.memory_space<vmem_shared>> -> memref<128x128xf32, #tpu.memory_space<vmem_shared>>
      tpu.enqueue_dma source(%dma_start3A_81 : memref<128x128xf32, #tpu.memory_space<vmem_shared>>) target(%dma_start3A_79 : memref<128x128xf32, #tpu.memory_space<hbm>>) target_semaphore(%run_scoped3A : memref<!tpu.dma_semaphore, #tpu.memory_space<semaphore_mem>>)
      %dma_wait3A = arith.constant 0 : i32
      %dma_wait3A_82 = tpu.memref_slice %arg5[%arg0, %add3A_65, %dma_wait3A] : memref<2x10240x128xf32, #tpu.memory_space<hbm>> -> memref<1x128x128xf32, #tpu.memory_space<hbm>>
      %dma_wait3A_83 = tpu.memref_squeeze %dma_wait3A_82 : memref<1x128x128xf32, #tpu.memory_space<hbm>> -> memref<128x128xf32, #tpu.memory_space<hbm>>
      %dma_wait3A_84 = arith.constant 0 : i32
      %dma_wait3A_85 = tpu.memref_slice %arg9[%add3A_63, %dma_wait3A_84] : memref<10240x128xf32, #tpu.memory_space<vmem_shared>> -> memref<128x128xf32, #tpu.memory_space<vmem_shared>>
      tpu.wait_dma2 semaphore(%run_scoped3A : memref<!tpu.dma_semaphore, #tpu.memory_space<semaphore_mem>>) src(%dma_wait3A_85 : memref<128x128xf32, #tpu.memory_space<vmem_shared>>) dst(%dma_wait3A_83 : memref<128x128xf32, #tpu.memory_space<hbm>>)
      tpu.yield
    }) : () -> ()
    %add3A_66 = arith.constant 256 : i32
    %add3A_67 = arith.addi %mul3A_35, %add3A_66 : i32
    %add3A_68 = arith.constant 256 : i32
    %add3A_69 = arith.addi %mul3A_35, %add3A_68 : i32
    "tpu.region"() ({
      %run_scoped3A = tpu.sem_alloc : memref<!tpu.dma_semaphore, #tpu.memory_space<semaphore_mem>>
      %dma_start3A = arith.constant 0 : i32
      %dma_start3A_78 = tpu.memref_slice %arg5[%arg0, %add3A_69, %dma_start3A] : memref<2x10240x128xf32, #tpu.memory_space<hbm>> -> memref<1x128x128xf32, #tpu.memory_space<hbm>>
      %dma_start3A_79 = tpu.memref_squeeze %dma_start3A_78 : memref<1x128x128xf32, #tpu.memory_space<hbm>> -> memref<128x128xf32, #tpu.memory_space<hbm>>
      %dma_start3A_80 = arith.constant 0 : i32
      %dma_start3A_81 = tpu.memref_slice %arg9[%add3A_67, %dma_start3A_80] : memref<10240x128xf32, #tpu.memory_space<vmem_shared>> -> memref<128x128xf32, #tpu.memory_space<vmem_shared>>
      tpu.enqueue_dma source(%dma_start3A_81 : memref<128x128xf32, #tpu.memory_space<vmem_shared>>) target(%dma_start3A_79 : memref<128x128xf32, #tpu.memory_space<hbm>>) target_semaphore(%run_scoped3A : memref<!tpu.dma_semaphore, #tpu.memory_space<semaphore_mem>>)
      %dma_wait3A = arith.constant 0 : i32
      %dma_wait3A_82 = tpu.memref_slice %arg5[%arg0, %add3A_69, %dma_wait3A] : memref<2x10240x128xf32, #tpu.memory_space<hbm>> -> memref<1x128x128xf32, #tpu.memory_space<hbm>>
      %dma_wait3A_83 = tpu.memref_squeeze %dma_wait3A_82 : memref<1x128x128xf32, #tpu.memory_space<hbm>> -> memref<128x128xf32, #tpu.memory_space<hbm>>
      %dma_wait3A_84 = arith.constant 0 : i32
      %dma_wait3A_85 = tpu.memref_slice %arg9[%add3A_67, %dma_wait3A_84] : memref<10240x128xf32, #tpu.memory_space<vmem_shared>> -> memref<128x128xf32, #tpu.memory_space<vmem_shared>>
      tpu.wait_dma2 semaphore(%run_scoped3A : memref<!tpu.dma_semaphore, #tpu.memory_space<semaphore_mem>>) src(%dma_wait3A_85 : memref<128x128xf32, #tpu.memory_space<vmem_shared>>) dst(%dma_wait3A_83 : memref<128x128xf32, #tpu.memory_space<hbm>>)
      tpu.yield
    }) : () -> ()
    %add3A_70 = arith.constant 384 : i32
    %add3A_71 = arith.addi %mul3A_35, %add3A_70 : i32
    %add3A_72 = arith.constant 384 : i32
    %add3A_73 = arith.addi %mul3A_35, %add3A_72 : i32
    "tpu.region"() ({
      %run_scoped3A = tpu.sem_alloc : memref<!tpu.dma_semaphore, #tpu.memory_space<semaphore_mem>>
      %dma_start3A = arith.constant 0 : i32
      %dma_start3A_78 = tpu.memref_slice %arg5[%arg0, %add3A_73, %dma_start3A] : memref<2x10240x128xf32, #tpu.memory_space<hbm>> -> memref<1x128x128xf32, #tpu.memory_space<hbm>>
      %dma_start3A_79 = tpu.memref_squeeze %dma_start3A_78 : memref<1x128x128xf32, #tpu.memory_space<hbm>> -> memref<128x128xf32, #tpu.memory_space<hbm>>
      %dma_start3A_80 = arith.constant 0 : i32
      %dma_start3A_81 = tpu.memref_slice %arg9[%add3A_71, %dma_start3A_80] : memref<10240x128xf32, #tpu.memory_space<vmem_shared>> -> memref<128x128xf32, #tpu.memory_space<vmem_shared>>
      tpu.enqueue_dma source(%dma_start3A_81 : memref<128x128xf32, #tpu.memory_space<vmem_shared>>) target(%dma_start3A_79 : memref<128x128xf32, #tpu.memory_space<hbm>>) target_semaphore(%run_scoped3A : memref<!tpu.dma_semaphore, #tpu.memory_space<semaphore_mem>>)
      %dma_wait3A = arith.constant 0 : i32
      %dma_wait3A_82 = tpu.memref_slice %arg5[%arg0, %add3A_73, %dma_wait3A] : memref<2x10240x128xf32, #tpu.memory_space<hbm>> -> memref<1x128x128xf32, #tpu.memory_space<hbm>>
      %dma_wait3A_83 = tpu.memref_squeeze %dma_wait3A_82 : memref<1x128x128xf32, #tpu.memory_space<hbm>> -> memref<128x128xf32, #tpu.memory_space<hbm>>
      %dma_wait3A_84 = arith.constant 0 : i32
      %dma_wait3A_85 = tpu.memref_slice %arg9[%add3A_71, %dma_wait3A_84] : memref<10240x128xf32, #tpu.memory_space<vmem_shared>> -> memref<128x128xf32, #tpu.memory_space<vmem_shared>>
      tpu.wait_dma2 semaphore(%run_scoped3A : memref<!tpu.dma_semaphore, #tpu.memory_space<semaphore_mem>>) src(%dma_wait3A_85 : memref<128x128xf32, #tpu.memory_space<vmem_shared>>) dst(%dma_wait3A_83 : memref<128x128xf32, #tpu.memory_space<hbm>>)
      tpu.yield
    }) : () -> ()
    %add3A_74 = arith.constant 512 : i32
    %add3A_75 = arith.addi %mul3A_35, %add3A_74 : i32
    %add3A_76 = arith.constant 512 : i32
    %add3A_77 = arith.addi %mul3A_35, %add3A_76 : i32
    "tpu.region"() ({
      %run_scoped3A = tpu.sem_alloc : memref<!tpu.dma_semaphore, #tpu.memory_space<semaphore_mem>>
      %dma_start3A = arith.constant 0 : i32
      %dma_start3A_78 = tpu.memref_slice %arg5[%arg0, %add3A_77, %dma_start3A] : memref<2x10240x128xf32, #tpu.memory_space<hbm>> -> memref<1x128x128xf32, #tpu.memory_space<hbm>>
      %dma_start3A_79 = tpu.memref_squeeze %dma_start3A_78 : memref<1x128x128xf32, #tpu.memory_space<hbm>> -> memref<128x128xf32, #tpu.memory_space<hbm>>
      %dma_start3A_80 = arith.constant 0 : i32
      %dma_start3A_81 = tpu.memref_slice %arg9[%add3A_75, %dma_start3A_80] : memref<10240x128xf32, #tpu.memory_space<vmem_shared>> -> memref<128x128xf32, #tpu.memory_space<vmem_shared>>
      tpu.enqueue_dma source(%dma_start3A_81 : memref<128x128xf32, #tpu.memory_space<vmem_shared>>) target(%dma_start3A_79 : memref<128x128xf32, #tpu.memory_space<hbm>>) target_semaphore(%run_scoped3A : memref<!tpu.dma_semaphore, #tpu.memory_space<semaphore_mem>>)
      %dma_wait3A = arith.constant 0 : i32
      %dma_wait3A_82 = tpu.memref_slice %arg5[%arg0, %add3A_77, %dma_wait3A] : memref<2x10240x128xf32, #tpu.memory_space<hbm>> -> memref<1x128x128xf32, #tpu.memory_space<hbm>>
      %dma_wait3A_83 = tpu.memref_squeeze %dma_wait3A_82 : memref<1x128x128xf32, #tpu.memory_space<hbm>> -> memref<128x128xf32, #tpu.memory_space<hbm>>
      %dma_wait3A_84 = arith.constant 0 : i32
      %dma_wait3A_85 = tpu.memref_slice %arg9[%add3A_75, %dma_wait3A_84] : memref<10240x128xf32, #tpu.memory_space<vmem_shared>> -> memref<128x128xf32, #tpu.memory_space<vmem_shared>>
      tpu.wait_dma2 semaphore(%run_scoped3A : memref<!tpu.dma_semaphore, #tpu.memory_space<semaphore_mem>>) src(%dma_wait3A_85 : memref<128x128xf32, #tpu.memory_space<vmem_shared>>) dst(%dma_wait3A_83 : memref<128x128xf32, #tpu.memory_space<hbm>>)
      tpu.yield
    }) : () -> ()
    return
  }
}

#map = affine_map<(d0, d1) -> (0, 0)>
#map1 = affine_map<(d0, d1) -> (0, 0, 0)>
module attributes {stable_mosaic.version = 14 : i64} {
  func.func @_deg_kernel(%arg0: i32, %arg1: i32, %arg2: memref<2504x128xi32, #tpu.memory_space<hbm>>, %arg3: memref<2x10240x16xf32, #tpu.memory_space<hbm>>, %arg4: memref<88x128xi32, #tpu.memory_space<vmem>>, %arg5: memref<128x16xf32, #tpu.memory_space<vmem>>, %arg6: memref<128x16xf32, #tpu.memory_space<vmem>>, %arg7: memref<10240x16xf32, #tpu.memory_space<vmem_shared>>) attributes {dimension_semantics = [#tpu.dimension_semantics<core_parallel>, #tpu.dimension_semantics<subcore_parallel>], iteration_bounds = array<i64: 2, 16>, scalar_prefetch = 0 : i64, scratch_operands = 4 : i64, tpu.core_type = #tpu.core_type<sc_vector_subcore>, window_params = [{transform_indices = #map}, {transform_indices = #map1}]} {
    %mul3A = arith.constant 2 : i32
    %mul3A_0 = arith.muli %arg1, %mul3A : i32
    %add3A = arith.addi %mul3A_0, %arg0 : i32
    %lt3A = arith.constant 4 : i32
    %lt3A_1 = arith.cmpi slt, %add3A, %lt3A : i32
    %jit3A = arith.constant 79 : i32
    %jit3A_2 = arith.constant 78 : i32
    %select_n3A = arith.select %lt3A_1, %jit3A, %jit3A_2 : i32
    %mul3A_3 = arith.constant 78 : i32
    %mul3A_4 = arith.muli %mul3A_3, %add3A : i32
    %min3A = arith.constant 4 : i32
    %min3A_5 = arith.minsi %add3A, %min3A : i32
    %add3A_6 = arith.addi %mul3A_4, %min3A_5 : i32
    %jit3A_7 = arith.constant 8 : i32
    %div3A = arith.divsi %add3A_6, %jit3A_7 : i32
    %sign3A = arith.constant 0 : i32
    %sign3A_8 = arith.cmpi sgt, %add3A_6, %sign3A : i32
    %sign3A_9 = arith.extui %sign3A_8 : i1 to i32
    %sign3A_10 = arith.constant 0 : i32
    %sign3A_11 = arith.cmpi slt, %add3A_6, %sign3A_10 : i32
    %sign3A_12 = arith.extui %sign3A_11 : i1 to i32
    %sign3A_13 = arith.subi %sign3A_9, %sign3A_12 : i32
    %sign3A_14 = arith.constant 0 : i32
    %sign3A_15 = arith.cmpi sgt, %jit3A_7, %sign3A_14 : i32
    %sign3A_16 = arith.extui %sign3A_15 : i1 to i32
    %sign3A_17 = arith.constant 0 : i32
    %sign3A_18 = arith.cmpi slt, %jit3A_7, %sign3A_17 : i32
    %sign3A_19 = arith.extui %sign3A_18 : i1 to i32
    %sign3A_20 = arith.subi %sign3A_16, %sign3A_19 : i32
    %ne3A = arith.cmpi ne, %sign3A_13, %sign3A_20 : i32
    %rem3A = arith.remsi %add3A_6, %jit3A_7 : i32
    %ne3A_21 = arith.constant 0 : i32
    %ne3A_22 = arith.cmpi ne, %rem3A, %ne3A_21 : i32
    %and3A = arith.andi %ne3A, %ne3A_22 : i1
    %sub3A = arith.constant 1 : i32
    %sub3A_23 = arith.subi %div3A, %sub3A : i32
    %select_n3A_24 = arith.select %and3A, %sub3A_23, %div3A : i32
    %mul3A_25 = arith.constant 8 : i32
    %mul3A_26 = arith.muli %select_n3A_24, %mul3A_25 : i32
    %sub3A_27 = arith.subi %add3A_6, %mul3A_26 : i32
    %scan3A = arith.constant 0 : i32
    %scan3A_28 = arith.constant 0 : i32
    %scan3A_29 = arith.constant 128 : i32
    %scan3A_30 = arith.addi %scan3A_28, %scan3A_29 : i32
    %scan3A_31 = arith.constant 1 : i32
    %scan3A_32 = scf.for %scan3A_78 = %scan3A_28 to %scan3A_30 step %scan3A_31 iter_args(%scan3A_79 = %scan3A) -> (i32)  : i32 {
      %broadcast_in_dim3A = arith.constant 0.000000e+00 : f32
      %broadcast_in_dim3A_80 = vector.broadcast %broadcast_in_dim3A : f32 to vector<16xf32>
      %swap3A = arith.index_cast %scan3A_78 : i32 to index
      %swap3A_81 = arith.constant 0 : index
      %swap3A_82 = tpu.vector_load %arg5[%swap3A, %swap3A_81] {strides = array<i32>} : memref<128x16xf32, #tpu.memory_space<vmem>>, vector<1x16xf32>,
      %swap3A_83 = vector.shape_cast %swap3A_82 : vector<1x16xf32> to vector<16xf32>
      %swap3A_84 = vector.shape_cast %broadcast_in_dim3A_80 : vector<16xf32> to vector<1x16xf32>
      tpu.vector_store %arg5[%swap3A, %swap3A_81], %swap3A_84 {strides = array<i32>} : memref<128x16xf32, #tpu.memory_space<vmem>>, vector<1x16xf32>,
      %broadcast_in_dim3A_85 = arith.constant 1.000000e+00 : f32
      %broadcast_in_dim3A_86 = vector.broadcast %broadcast_in_dim3A_85 : f32 to vector<16xf32>
      %swap3A_87 = arith.index_cast %scan3A_78 : i32 to index
      %swap3A_88 = arith.constant 0 : index
      %swap3A_89 = tpu.vector_load %arg6[%swap3A_87, %swap3A_88] {strides = array<i32>} : memref<128x16xf32, #tpu.memory_space<vmem>>, vector<1x16xf32>,
      %swap3A_90 = vector.shape_cast %swap3A_89 : vector<1x16xf32> to vector<16xf32>
      %swap3A_91 = vector.shape_cast %broadcast_in_dim3A_86 : vector<16xf32> to vector<1x16xf32>
      tpu.vector_store %arg6[%swap3A_87, %swap3A_88], %swap3A_91 {strides = array<i32>} : memref<128x16xf32, #tpu.memory_space<vmem>>, vector<1x16xf32>,
      %scan3A_92 = arith.constant 0 : i32
      scf.yield %scan3A_92 : i32
    }
    %scan3A_33 = arith.constant 128 : i32
    %mul3A_34 = arith.constant 640 : i32
    %mul3A_35 = arith.muli %arg1, %mul3A_34 : i32
    %add3A_36 = arith.constant 0 : i32
    %add3A_37 = arith.addi %mul3A_35, %add3A_36 : i32
    "tpu.region"() ({
      %run_scoped3A = tpu.sem_alloc : memref<!tpu.dma_semaphore, #tpu.memory_space<semaphore_mem>>
      %dma_start3A = arith.constant 0 : i32
      %dma_start3A_78 = tpu.memref_slice %arg7[%add3A_37, %dma_start3A] : memref<10240x16xf32, #tpu.memory_space<vmem_shared>> -> memref<128x16xf32, #tpu.memory_space<vmem_shared>>
      %dma_start3A_79 = arith.constant 0 : i32
      %dma_start3A_80 = tpu.memref_slice %arg7[%add3A_37, %dma_start3A_79] : memref<10240x16xf32, #tpu.memory_space<vmem_shared>> -> memref<128x16xf32, #tpu.memory_space<vmem_shared>>
      tpu.enqueue_dma source(%arg5 : memref<128x16xf32, #tpu.memory_space<vmem>>) target(%dma_start3A_80 : memref<128x16xf32, #tpu.memory_space<vmem_shared>>) target_semaphore(%run_scoped3A : memref<!tpu.dma_semaphore, #tpu.memory_space<semaphore_mem>>)
      %dma_wait3A = arith.constant 0 : i32
      %dma_wait3A_81 = tpu.memref_slice %arg7[%add3A_37, %dma_wait3A] : memref<10240x16xf32, #tpu.memory_space<vmem_shared>> -> memref<128x16xf32, #tpu.memory_space<vmem_shared>>
      %dma_wait3A_82 = arith.constant 0 : i32
      %dma_wait3A_83 = tpu.memref_slice %arg7[%add3A_37, %dma_wait3A_82] : memref<10240x16xf32, #tpu.memory_space<vmem_shared>> -> memref<128x16xf32, #tpu.memory_space<vmem_shared>>
      tpu.wait_dma2 semaphore(%run_scoped3A : memref<!tpu.dma_semaphore, #tpu.memory_space<semaphore_mem>>) src(%arg5 : memref<128x16xf32, #tpu.memory_space<vmem>>) dst(%dma_wait3A_83 : memref<128x16xf32, #tpu.memory_space<vmem_shared>>)
      tpu.yield
    }) : () -> ()
    %add3A_38 = arith.constant 128 : i32
    %add3A_39 = arith.addi %mul3A_35, %add3A_38 : i32
    "tpu.region"() ({
      %run_scoped3A = tpu.sem_alloc : memref<!tpu.dma_semaphore, #tpu.memory_space<semaphore_mem>>
      %dma_start3A = arith.constant 0 : i32
      %dma_start3A_78 = tpu.memref_slice %arg7[%add3A_39, %dma_start3A] : memref<10240x16xf32, #tpu.memory_space<vmem_shared>> -> memref<128x16xf32, #tpu.memory_space<vmem_shared>>
      %dma_start3A_79 = arith.constant 0 : i32
      %dma_start3A_80 = tpu.memref_slice %arg7[%add3A_39, %dma_start3A_79] : memref<10240x16xf32, #tpu.memory_space<vmem_shared>> -> memref<128x16xf32, #tpu.memory_space<vmem_shared>>
      tpu.enqueue_dma source(%arg5 : memref<128x16xf32, #tpu.memory_space<vmem>>) target(%dma_start3A_80 : memref<128x16xf32, #tpu.memory_space<vmem_shared>>) target_semaphore(%run_scoped3A : memref<!tpu.dma_semaphore, #tpu.memory_space<semaphore_mem>>)
      %dma_wait3A = arith.constant 0 : i32
      %dma_wait3A_81 = tpu.memref_slice %arg7[%add3A_39, %dma_wait3A] : memref<10240x16xf32, #tpu.memory_space<vmem_shared>> -> memref<128x16xf32, #tpu.memory_space<vmem_shared>>
      %dma_wait3A_82 = arith.constant 0 : i32
      %dma_wait3A_83 = tpu.memref_slice %arg7[%add3A_39, %dma_wait3A_82] : memref<10240x16xf32, #tpu.memory_space<vmem_shared>> -> memref<128x16xf32, #tpu.memory_space<vmem_shared>>
      tpu.wait_dma2 semaphore(%run_scoped3A : memref<!tpu.dma_semaphore, #tpu.memory_space<semaphore_mem>>) src(%arg5 : memref<128x16xf32, #tpu.memory_space<vmem>>) dst(%dma_wait3A_83 : memref<128x16xf32, #tpu.memory_space<vmem_shared>>)
      tpu.yield
    }) : () -> ()
    %add3A_40 = arith.constant 256 : i32
    %add3A_41 = arith.addi %mul3A_35, %add3A_40 : i32
    "tpu.region"() ({
      %run_scoped3A = tpu.sem_alloc : memref<!tpu.dma_semaphore, #tpu.memory_space<semaphore_mem>>
      %dma_start3A = arith.constant 0 : i32
      %dma_start3A_78 = tpu.memref_slice %arg7[%add3A_41, %dma_start3A] : memref<10240x16xf32, #tpu.memory_space<vmem_shared>> -> memref<128x16xf32, #tpu.memory_space<vmem_shared>>
      %dma_start3A_79 = arith.constant 0 : i32
      %dma_start3A_80 = tpu.memref_slice %arg7[%add3A_41, %dma_start3A_79] : memref<10240x16xf32, #tpu.memory_space<vmem_shared>> -> memref<128x16xf32, #tpu.memory_space<vmem_shared>>
      tpu.enqueue_dma source(%arg5 : memref<128x16xf32, #tpu.memory_space<vmem>>) target(%dma_start3A_80 : memref<128x16xf32, #tpu.memory_space<vmem_shared>>) target_semaphore(%run_scoped3A : memref<!tpu.dma_semaphore, #tpu.memory_space<semaphore_mem>>)
      %dma_wait3A = arith.constant 0 : i32
      %dma_wait3A_81 = tpu.memref_slice %arg7[%add3A_41, %dma_wait3A] : memref<10240x16xf32, #tpu.memory_space<vmem_shared>> -> memref<128x16xf32, #tpu.memory_space<vmem_shared>>
      %dma_wait3A_82 = arith.constant 0 : i32
      %dma_wait3A_83 = tpu.memref_slice %arg7[%add3A_41, %dma_wait3A_82] : memref<10240x16xf32, #tpu.memory_space<vmem_shared>> -> memref<128x16xf32, #tpu.memory_space<vmem_shared>>
      tpu.wait_dma2 semaphore(%run_scoped3A : memref<!tpu.dma_semaphore, #tpu.memory_space<semaphore_mem>>) src(%arg5 : memref<128x16xf32, #tpu.memory_space<vmem>>) dst(%dma_wait3A_83 : memref<128x16xf32, #tpu.memory_space<vmem_shared>>)
      tpu.yield
    }) : () -> ()
    %add3A_42 = arith.constant 384 : i32
    %add3A_43 = arith.addi %mul3A_35, %add3A_42 : i32
    "tpu.region"() ({
      %run_scoped3A = tpu.sem_alloc : memref<!tpu.dma_semaphore, #tpu.memory_space<semaphore_mem>>
      %dma_start3A = arith.constant 0 : i32
      %dma_start3A_78 = tpu.memref_slice %arg7[%add3A_43, %dma_start3A] : memref<10240x16xf32, #tpu.memory_space<vmem_shared>> -> memref<128x16xf32, #tpu.memory_space<vmem_shared>>
      %dma_start3A_79 = arith.constant 0 : i32
      %dma_start3A_80 = tpu.memref_slice %arg7[%add3A_43, %dma_start3A_79] : memref<10240x16xf32, #tpu.memory_space<vmem_shared>> -> memref<128x16xf32, #tpu.memory_space<vmem_shared>>
      tpu.enqueue_dma source(%arg5 : memref<128x16xf32, #tpu.memory_space<vmem>>) target(%dma_start3A_80 : memref<128x16xf32, #tpu.memory_space<vmem_shared>>) target_semaphore(%run_scoped3A : memref<!tpu.dma_semaphore, #tpu.memory_space<semaphore_mem>>)
      %dma_wait3A = arith.constant 0 : i32
      %dma_wait3A_81 = tpu.memref_slice %arg7[%add3A_43, %dma_wait3A] : memref<10240x16xf32, #tpu.memory_space<vmem_shared>> -> memref<128x16xf32, #tpu.memory_space<vmem_shared>>
      %dma_wait3A_82 = arith.constant 0 : i32
      %dma_wait3A_83 = tpu.memref_slice %arg7[%add3A_43, %dma_wait3A_82] : memref<10240x16xf32, #tpu.memory_space<vmem_shared>> -> memref<128x16xf32, #tpu.memory_space<vmem_shared>>
      tpu.wait_dma2 semaphore(%run_scoped3A : memref<!tpu.dma_semaphore, #tpu.memory_space<semaphore_mem>>) src(%arg5 : memref<128x16xf32, #tpu.memory_space<vmem>>) dst(%dma_wait3A_83 : memref<128x16xf32, #tpu.memory_space<vmem_shared>>)
      tpu.yield
    }) : () -> ()
    %add3A_44 = arith.constant 512 : i32
    %add3A_45 = arith.addi %mul3A_35, %add3A_44 : i32
    "tpu.region"() ({
      %run_scoped3A = tpu.sem_alloc : memref<!tpu.dma_semaphore, #tpu.memory_space<semaphore_mem>>
      %dma_start3A = arith.constant 0 : i32
      %dma_start3A_78 = tpu.memref_slice %arg7[%add3A_45, %dma_start3A] : memref<10240x16xf32, #tpu.memory_space<vmem_shared>> -> memref<128x16xf32, #tpu.memory_space<vmem_shared>>
      %dma_start3A_79 = arith.constant 0 : i32
      %dma_start3A_80 = tpu.memref_slice %arg7[%add3A_45, %dma_start3A_79] : memref<10240x16xf32, #tpu.memory_space<vmem_shared>> -> memref<128x16xf32, #tpu.memory_space<vmem_shared>>
      tpu.enqueue_dma source(%arg5 : memref<128x16xf32, #tpu.memory_space<vmem>>) target(%dma_start3A_80 : memref<128x16xf32, #tpu.memory_space<vmem_shared>>) target_semaphore(%run_scoped3A : memref<!tpu.dma_semaphore, #tpu.memory_space<semaphore_mem>>)
      %dma_wait3A = arith.constant 0 : i32
      %dma_wait3A_81 = tpu.memref_slice %arg7[%add3A_45, %dma_wait3A] : memref<10240x16xf32, #tpu.memory_space<vmem_shared>> -> memref<128x16xf32, #tpu.memory_space<vmem_shared>>
      %dma_wait3A_82 = arith.constant 0 : i32
      %dma_wait3A_83 = tpu.memref_slice %arg7[%add3A_45, %dma_wait3A_82] : memref<10240x16xf32, #tpu.memory_space<vmem_shared>> -> memref<128x16xf32, #tpu.memory_space<vmem_shared>>
      tpu.wait_dma2 semaphore(%run_scoped3A : memref<!tpu.dma_semaphore, #tpu.memory_space<semaphore_mem>>) src(%arg5 : memref<128x16xf32, #tpu.memory_space<vmem>>) dst(%dma_wait3A_83 : memref<128x16xf32, #tpu.memory_space<vmem_shared>>)
      tpu.yield
    }) : () -> ()
    %barrier3A = arith.constant 0 : index
    tpu.barrier barrier_id(%barrier3A)
    "tpu.region"() ({
      %run_scoped3A = tpu.sem_alloc : memref<!tpu.dma_semaphore, #tpu.memory_space<semaphore_mem>>
      %dma_start3A = arith.constant 0 : i32
      %dma_start3A_78 = tpu.memref_slice %arg2[%mul3A_26, %dma_start3A] : memref<2504x128xi32, #tpu.memory_space<hbm>> -> memref<88x128xi32, #tpu.memory_space<hbm>>
      %dma_start3A_79 = arith.constant 0 : i32
      %dma_start3A_80 = tpu.memref_slice %arg2[%mul3A_26, %dma_start3A_79] : memref<2504x128xi32, #tpu.memory_space<hbm>> -> memref<88x128xi32, #tpu.memory_space<hbm>>
      tpu.enqueue_dma source(%dma_start3A_80 : memref<88x128xi32, #tpu.memory_space<hbm>>) target(%arg4 : memref<88x128xi32, #tpu.memory_space<vmem>>) target_semaphore(%run_scoped3A : memref<!tpu.dma_semaphore, #tpu.memory_space<semaphore_mem>>)
      %dma_wait3A = arith.constant 0 : i32
      %dma_wait3A_81 = tpu.memref_slice %arg2[%mul3A_26, %dma_wait3A] : memref<2504x128xi32, #tpu.memory_space<hbm>> -> memref<88x128xi32, #tpu.memory_space<hbm>>
      %dma_wait3A_82 = arith.constant 0 : i32
      %dma_wait3A_83 = tpu.memref_slice %arg2[%mul3A_26, %dma_wait3A_82] : memref<2504x128xi32, #tpu.memory_space<hbm>> -> memref<88x128xi32, #tpu.memory_space<hbm>>
      tpu.wait_dma2 semaphore(%run_scoped3A : memref<!tpu.dma_semaphore, #tpu.memory_space<semaphore_mem>>) src(%dma_wait3A_83 : memref<88x128xi32, #tpu.memory_space<hbm>>) dst(%arg4 : memref<88x128xi32, #tpu.memory_space<vmem>>)
      tpu.yield
    }) : () -> ()
    %while3A = arith.constant 0 : i32
    %while3A_46 = arith.constant 0 : i32
    %while3A_47 = arith.subi %select_n3A, %while3A : i32
    %while3A_48 = arith.addi %while3A, %while3A_47 : i32
    %while3A_49 = arith.constant 1 : i32
    %while3A_50 = arith.divsi %while3A_47, %while3A_49 : i32
    %while3A_51 = arith.muli %while3A_50, %while3A_49 : i32
    %while3A_52 = arith.addi %while3A, %while3A_51 : i32
    %while3A_53 = arith.constant 1 : i32
    %while3A_54 = scf.for %while3A_78 = %while3A to %while3A_52 step %while3A_53 iter_args(%while3A_79 = %while3A_46) -> (i32)  : i32 {
      %add3A_80 = arith.addi %sub3A_27, %while3A_78 : i32
      "tpu.region"() ({
        %run_scoped3A = tpu.sem_alloc : memref<!tpu.dma_semaphore, #tpu.memory_space<semaphore_mem>>
        %dma_start3A = arith.constant 0 : i32
        %dma_start3A_82 = tpu.memref_slice %arg4[%add3A_80, %dma_start3A] : memref<88x128xi32, #tpu.memory_space<vmem>> -> memref<1x128xi32, #tpu.memory_space<vmem>>
        %dma_start3A_83 = tpu.memref_squeeze %dma_start3A_82 : memref<1x128xi32, #tpu.memory_space<vmem>> -> memref<128xi32, #tpu.memory_space<vmem>>
        %dma_start3A_84 = arith.constant 0 : i32
        %dma_start3A_85 = arith.constant 0 : i32
        %dma_start3A_86 = tpu.memref_slice %arg7[%dma_start3A_84, %dma_start3A_85] : memref<10240x16xf32, #tpu.memory_space<vmem_shared>> -> memref<10240x16xf32, #tpu.memory_space<vmem_shared>>
        tpu.enqueue_indirect_dma source(%arg6 : memref<128x16xf32, #tpu.memory_space<vmem>>) target(%dma_start3A_86 : memref<10240x16xf32, #tpu.memory_space<vmem_shared>>) offsets(%dma_start3A_83 : memref<128xi32, #tpu.memory_space<vmem>>) semaphore(%run_scoped3A : memref<!tpu.dma_semaphore, #tpu.memory_space<semaphore_mem>>) {add = true}
        %dma_wait3A = arith.constant 0 : i32
        %dma_wait3A_87 = tpu.memref_slice %arg4[%add3A_80, %dma_wait3A] : memref<88x128xi32, #tpu.memory_space<vmem>> -> memref<1x128xi32, #tpu.memory_space<vmem>>
        %dma_wait3A_88 = tpu.memref_squeeze %dma_wait3A_87 : memref<1x128xi32, #tpu.memory_space<vmem>> -> memref<128xi32, #tpu.memory_space<vmem>>
        %dma_wait3A_89 = arith.constant 0 : i32
        %dma_wait3A_90 = arith.constant 0 : i32
        %dma_wait3A_91 = tpu.memref_slice %arg7[%dma_wait3A_89, %dma_wait3A_90] : memref<10240x16xf32, #tpu.memory_space<vmem_shared>> -> memref<10240x16xf32, #tpu.memory_space<vmem_shared>>
        tpu.wait_indirect_dma semaphore(%run_scoped3A : memref<!tpu.dma_semaphore, #tpu.memory_space<semaphore_mem>>) src(%arg6 : memref<128x16xf32, #tpu.memory_space<vmem>>) dst(%dma_wait3A_91 : memref<10240x16xf32, #tpu.memory_space<vmem_shared>>)
        tpu.yield
      }) : () -> ()
      %while3A_81 = arith.constant 0 : i32
      scf.yield %while3A_81 : i32
    }
    %while3A_55 = arith.constant 1 : i32
    %while3A_56 = scf.for %while3A_78 = %while3A_52 to %while3A_48 step %while3A_55 iter_args(%while3A_79 = %while3A_54) -> (i32)  : i32 {
      %add3A_80 = arith.addi %sub3A_27, %while3A_78 : i32
      "tpu.region"() ({
        %run_scoped3A = tpu.sem_alloc : memref<!tpu.dma_semaphore, #tpu.memory_space<semaphore_mem>>
        %dma_start3A = arith.constant 0 : i32
        %dma_start3A_82 = tpu.memref_slice %arg4[%add3A_80, %dma_start3A] : memref<88x128xi32, #tpu.memory_space<vmem>> -> memref<1x128xi32, #tpu.memory_space<vmem>>
        %dma_start3A_83 = tpu.memref_squeeze %dma_start3A_82 : memref<1x128xi32, #tpu.memory_space<vmem>> -> memref<128xi32, #tpu.memory_space<vmem>>
        %dma_start3A_84 = arith.constant 0 : i32
        %dma_start3A_85 = arith.constant 0 : i32
        %dma_start3A_86 = tpu.memref_slice %arg7[%dma_start3A_84, %dma_start3A_85] : memref<10240x16xf32, #tpu.memory_space<vmem_shared>> -> memref<10240x16xf32, #tpu.memory_space<vmem_shared>>
        tpu.enqueue_indirect_dma source(%arg6 : memref<128x16xf32, #tpu.memory_space<vmem>>) target(%dma_start3A_86 : memref<10240x16xf32, #tpu.memory_space<vmem_shared>>) offsets(%dma_start3A_83 : memref<128xi32, #tpu.memory_space<vmem>>) semaphore(%run_scoped3A : memref<!tpu.dma_semaphore, #tpu.memory_space<semaphore_mem>>) {add = true}
        %dma_wait3A = arith.constant 0 : i32
        %dma_wait3A_87 = tpu.memref_slice %arg4[%add3A_80, %dma_wait3A] : memref<88x128xi32, #tpu.memory_space<vmem>> -> memref<1x128xi32, #tpu.memory_space<vmem>>
        %dma_wait3A_88 = tpu.memref_squeeze %dma_wait3A_87 : memref<1x128xi32, #tpu.memory_space<vmem>> -> memref<128xi32, #tpu.memory_space<vmem>>
        %dma_wait3A_89 = arith.constant 0 : i32
        %dma_wait3A_90 = arith.constant 0 : i32
        %dma_wait3A_91 = tpu.memref_slice %arg7[%dma_wait3A_89, %dma_wait3A_90] : memref<10240x16xf32, #tpu.memory_space<vmem_shared>> -> memref<10240x16xf32, #tpu.memory_space<vmem_shared>>
        tpu.wait_indirect_dma semaphore(%run_scoped3A : memref<!tpu.dma_semaphore, #tpu.memory_space<semaphore_mem>>) src(%arg6 : memref<128x16xf32, #tpu.memory_space<vmem>>) dst(%dma_wait3A_91 : memref<10240x16xf32, #tpu.memory_space<vmem_shared>>)
        tpu.yield
      }) : () -> ()
      %while3A_81 = arith.constant 0 : i32
      scf.yield %while3A_81 : i32
    }
    %barrier3A_57 = arith.constant 0 : index
    tpu.barrier barrier_id(%barrier3A_57)
    %add3A_58 = arith.constant 0 : i32
    %add3A_59 = arith.addi %mul3A_35, %add3A_58 : i32
    %add3A_60 = arith.constant 0 : i32
    %add3A_61 = arith.addi %mul3A_35, %add3A_60 : i32
    "tpu.region"() ({
      %run_scoped3A = tpu.sem_alloc : memref<!tpu.dma_semaphore, #tpu.memory_space<semaphore_mem>>
      %dma_start3A = arith.constant 0 : i32
      %dma_start3A_78 = tpu.memref_slice %arg3[%arg0, %add3A_61, %dma_start3A] : memref<2x10240x16xf32, #tpu.memory_space<hbm>> -> memref<1x128x16xf32, #tpu.memory_space<hbm>>
      %dma_start3A_79 = tpu.memref_squeeze %dma_start3A_78 : memref<1x128x16xf32, #tpu.memory_space<hbm>> -> memref<128x16xf32, #tpu.memory_space<hbm>>
      %dma_start3A_80 = arith.constant 0 : i32
      %dma_start3A_81 = tpu.memref_slice %arg7[%add3A_59, %dma_start3A_80] : memref<10240x16xf32, #tpu.memory_space<vmem_shared>> -> memref<128x16xf32, #tpu.memory_space<vmem_shared>>
      tpu.enqueue_dma source(%dma_start3A_81 : memref<128x16xf32, #tpu.memory_space<vmem_shared>>) target(%dma_start3A_79 : memref<128x16xf32, #tpu.memory_space<hbm>>) target_semaphore(%run_scoped3A : memref<!tpu.dma_semaphore, #tpu.memory_space<semaphore_mem>>)
      %dma_wait3A = arith.constant 0 : i32
      %dma_wait3A_82 = tpu.memref_slice %arg3[%arg0, %add3A_61, %dma_wait3A] : memref<2x10240x16xf32, #tpu.memory_space<hbm>> -> memref<1x128x16xf32, #tpu.memory_space<hbm>>
      %dma_wait3A_83 = tpu.memref_squeeze %dma_wait3A_82 : memref<1x128x16xf32, #tpu.memory_space<hbm>> -> memref<128x16xf32, #tpu.memory_space<hbm>>
      %dma_wait3A_84 = arith.constant 0 : i32
      %dma_wait3A_85 = tpu.memref_slice %arg7[%add3A_59, %dma_wait3A_84] : memref<10240x16xf32, #tpu.memory_space<vmem_shared>> -> memref<128x16xf32, #tpu.memory_space<vmem_shared>>
      tpu.wait_dma2 semaphore(%run_scoped3A : memref<!tpu.dma_semaphore, #tpu.memory_space<semaphore_mem>>) src(%dma_wait3A_85 : memref<128x16xf32, #tpu.memory_space<vmem_shared>>) dst(%dma_wait3A_83 : memref<128x16xf32, #tpu.memory_space<hbm>>)
      tpu.yield
    }) : () -> ()
    %add3A_62 = arith.constant 128 : i32
    %add3A_63 = arith.addi %mul3A_35, %add3A_62 : i32
    %add3A_64 = arith.constant 128 : i32
    %add3A_65 = arith.addi %mul3A_35, %add3A_64 : i32
    "tpu.region"() ({
      %run_scoped3A = tpu.sem_alloc : memref<!tpu.dma_semaphore, #tpu.memory_space<semaphore_mem>>
      %dma_start3A = arith.constant 0 : i32
      %dma_start3A_78 = tpu.memref_slice %arg3[%arg0, %add3A_65, %dma_start3A] : memref<2x10240x16xf32, #tpu.memory_space<hbm>> -> memref<1x128x16xf32, #tpu.memory_space<hbm>>
      %dma_start3A_79 = tpu.memref_squeeze %dma_start3A_78 : memref<1x128x16xf32, #tpu.memory_space<hbm>> -> memref<128x16xf32, #tpu.memory_space<hbm>>
      %dma_start3A_80 = arith.constant 0 : i32
      %dma_start3A_81 = tpu.memref_slice %arg7[%add3A_63, %dma_start3A_80] : memref<10240x16xf32, #tpu.memory_space<vmem_shared>> -> memref<128x16xf32, #tpu.memory_space<vmem_shared>>
      tpu.enqueue_dma source(%dma_start3A_81 : memref<128x16xf32, #tpu.memory_space<vmem_shared>>) target(%dma_start3A_79 : memref<128x16xf32, #tpu.memory_space<hbm>>) target_semaphore(%run_scoped3A : memref<!tpu.dma_semaphore, #tpu.memory_space<semaphore_mem>>)
      %dma_wait3A = arith.constant 0 : i32
      %dma_wait3A_82 = tpu.memref_slice %arg3[%arg0, %add3A_65, %dma_wait3A] : memref<2x10240x16xf32, #tpu.memory_space<hbm>> -> memref<1x128x16xf32, #tpu.memory_space<hbm>>
      %dma_wait3A_83 = tpu.memref_squeeze %dma_wait3A_82 : memref<1x128x16xf32, #tpu.memory_space<hbm>> -> memref<128x16xf32, #tpu.memory_space<hbm>>
      %dma_wait3A_84 = arith.constant 0 : i32
      %dma_wait3A_85 = tpu.memref_slice %arg7[%add3A_63, %dma_wait3A_84] : memref<10240x16xf32, #tpu.memory_space<vmem_shared>> -> memref<128x16xf32, #tpu.memory_space<vmem_shared>>
      tpu.wait_dma2 semaphore(%run_scoped3A : memref<!tpu.dma_semaphore, #tpu.memory_space<semaphore_mem>>) src(%dma_wait3A_85 : memref<128x16xf32, #tpu.memory_space<vmem_shared>>) dst(%dma_wait3A_83 : memref<128x16xf32, #tpu.memory_space<hbm>>)
      tpu.yield
    }) : () -> ()
    %add3A_66 = arith.constant 256 : i32
    %add3A_67 = arith.addi %mul3A_35, %add3A_66 : i32
    %add3A_68 = arith.constant 256 : i32
    %add3A_69 = arith.addi %mul3A_35, %add3A_68 : i32
    "tpu.region"() ({
      %run_scoped3A = tpu.sem_alloc : memref<!tpu.dma_semaphore, #tpu.memory_space<semaphore_mem>>
      %dma_start3A = arith.constant 0 : i32
      %dma_start3A_78 = tpu.memref_slice %arg3[%arg0, %add3A_69, %dma_start3A] : memref<2x10240x16xf32, #tpu.memory_space<hbm>> -> memref<1x128x16xf32, #tpu.memory_space<hbm>>
      %dma_start3A_79 = tpu.memref_squeeze %dma_start3A_78 : memref<1x128x16xf32, #tpu.memory_space<hbm>> -> memref<128x16xf32, #tpu.memory_space<hbm>>
      %dma_start3A_80 = arith.constant 0 : i32
      %dma_start3A_81 = tpu.memref_slice %arg7[%add3A_67, %dma_start3A_80] : memref<10240x16xf32, #tpu.memory_space<vmem_shared>> -> memref<128x16xf32, #tpu.memory_space<vmem_shared>>
      tpu.enqueue_dma source(%dma_start3A_81 : memref<128x16xf32, #tpu.memory_space<vmem_shared>>) target(%dma_start3A_79 : memref<128x16xf32, #tpu.memory_space<hbm>>) target_semaphore(%run_scoped3A : memref<!tpu.dma_semaphore, #tpu.memory_space<semaphore_mem>>)
      %dma_wait3A = arith.constant 0 : i32
      %dma_wait3A_82 = tpu.memref_slice %arg3[%arg0, %add3A_69, %dma_wait3A] : memref<2x10240x16xf32, #tpu.memory_space<hbm>> -> memref<1x128x16xf32, #tpu.memory_space<hbm>>
      %dma_wait3A_83 = tpu.memref_squeeze %dma_wait3A_82 : memref<1x128x16xf32, #tpu.memory_space<hbm>> -> memref<128x16xf32, #tpu.memory_space<hbm>>
      %dma_wait3A_84 = arith.constant 0 : i32
      %dma_wait3A_85 = tpu.memref_slice %arg7[%add3A_67, %dma_wait3A_84] : memref<10240x16xf32, #tpu.memory_space<vmem_shared>> -> memref<128x16xf32, #tpu.memory_space<vmem_shared>>
      tpu.wait_dma2 semaphore(%run_scoped3A : memref<!tpu.dma_semaphore, #tpu.memory_space<semaphore_mem>>) src(%dma_wait3A_85 : memref<128x16xf32, #tpu.memory_space<vmem_shared>>) dst(%dma_wait3A_83 : memref<128x16xf32, #tpu.memory_space<hbm>>)
      tpu.yield
    }) : () -> ()
    %add3A_70 = arith.constant 384 : i32
    %add3A_71 = arith.addi %mul3A_35, %add3A_70 : i32
    %add3A_72 = arith.constant 384 : i32
    %add3A_73 = arith.addi %mul3A_35, %add3A_72 : i32
    "tpu.region"() ({
      %run_scoped3A = tpu.sem_alloc : memref<!tpu.dma_semaphore, #tpu.memory_space<semaphore_mem>>
      %dma_start3A = arith.constant 0 : i32
      %dma_start3A_78 = tpu.memref_slice %arg3[%arg0, %add3A_73, %dma_start3A] : memref<2x10240x16xf32, #tpu.memory_space<hbm>> -> memref<1x128x16xf32, #tpu.memory_space<hbm>>
      %dma_start3A_79 = tpu.memref_squeeze %dma_start3A_78 : memref<1x128x16xf32, #tpu.memory_space<hbm>> -> memref<128x16xf32, #tpu.memory_space<hbm>>
      %dma_start3A_80 = arith.constant 0 : i32
      %dma_start3A_81 = tpu.memref_slice %arg7[%add3A_71, %dma_start3A_80] : memref<10240x16xf32, #tpu.memory_space<vmem_shared>> -> memref<128x16xf32, #tpu.memory_space<vmem_shared>>
      tpu.enqueue_dma source(%dma_start3A_81 : memref<128x16xf32, #tpu.memory_space<vmem_shared>>) target(%dma_start3A_79 : memref<128x16xf32, #tpu.memory_space<hbm>>) target_semaphore(%run_scoped3A : memref<!tpu.dma_semaphore, #tpu.memory_space<semaphore_mem>>)
      %dma_wait3A = arith.constant 0 : i32
      %dma_wait3A_82 = tpu.memref_slice %arg3[%arg0, %add3A_73, %dma_wait3A] : memref<2x10240x16xf32, #tpu.memory_space<hbm>> -> memref<1x128x16xf32, #tpu.memory_space<hbm>>
      %dma_wait3A_83 = tpu.memref_squeeze %dma_wait3A_82 : memref<1x128x16xf32, #tpu.memory_space<hbm>> -> memref<128x16xf32, #tpu.memory_space<hbm>>
      %dma_wait3A_84 = arith.constant 0 : i32
      %dma_wait3A_85 = tpu.memref_slice %arg7[%add3A_71, %dma_wait3A_84] : memref<10240x16xf32, #tpu.memory_space<vmem_shared>> -> memref<128x16xf32, #tpu.memory_space<vmem_shared>>
      tpu.wait_dma2 semaphore(%run_scoped3A : memref<!tpu.dma_semaphore, #tpu.memory_space<semaphore_mem>>) src(%dma_wait3A_85 : memref<128x16xf32, #tpu.memory_space<vmem_shared>>) dst(%dma_wait3A_83 : memref<128x16xf32, #tpu.memory_space<hbm>>)
      tpu.yield
    }) : () -> ()
    %add3A_74 = arith.constant 512 : i32
    %add3A_75 = arith.addi %mul3A_35, %add3A_74 : i32
    %add3A_76 = arith.constant 512 : i32
    %add3A_77 = arith.addi %mul3A_35, %add3A_76 : i32
    "tpu.region"() ({
      %run_scoped3A = tpu.sem_alloc : memref<!tpu.dma_semaphore, #tpu.memory_space<semaphore_mem>>
      %dma_start3A = arith.constant 0 : i32
      %dma_start3A_78 = tpu.memref_slice %arg3[%arg0, %add3A_77, %dma_start3A] : memref<2x10240x16xf32, #tpu.memory_space<hbm>> -> memref<1x128x16xf32, #tpu.memory_space<hbm>>
      %dma_start3A_79 = tpu.memref_squeeze %dma_start3A_78 : memref<1x128x16xf32, #tpu.memory_space<hbm>> -> memref<128x16xf32, #tpu.memory_space<hbm>>
      %dma_start3A_80 = arith.constant 0 : i32
      %dma_start3A_81 = tpu.memref_slice %arg7[%add3A_75, %dma_start3A_80] : memref<10240x16xf32, #tpu.memory_space<vmem_shared>> -> memref<128x16xf32, #tpu.memory_space<vmem_shared>>
      tpu.enqueue_dma source(%dma_start3A_81 : memref<128x16xf32, #tpu.memory_space<vmem_shared>>) target(%dma_start3A_79 : memref<128x16xf32, #tpu.memory_space<hbm>>) target_semaphore(%run_scoped3A : memref<!tpu.dma_semaphore, #tpu.memory_space<semaphore_mem>>)
      %dma_wait3A = arith.constant 0 : i32
      %dma_wait3A_82 = tpu.memref_slice %arg3[%arg0, %add3A_77, %dma_wait3A] : memref<2x10240x16xf32, #tpu.memory_space<hbm>> -> memref<1x128x16xf32, #tpu.memory_space<hbm>>
      %dma_wait3A_83 = tpu.memref_squeeze %dma_wait3A_82 : memref<1x128x16xf32, #tpu.memory_space<hbm>> -> memref<128x16xf32, #tpu.memory_space<hbm>>
      %dma_wait3A_84 = arith.constant 0 : i32
      %dma_wait3A_85 = tpu.memref_slice %arg7[%add3A_75, %dma_wait3A_84] : memref<10240x16xf32, #tpu.memory_space<vmem_shared>> -> memref<128x16xf32, #tpu.memory_space<vmem_shared>>
      tpu.wait_dma2 semaphore(%run_scoped3A : memref<!tpu.dma_semaphore, #tpu.memory_space<semaphore_mem>>) src(%dma_wait3A_85 : memref<128x16xf32, #tpu.memory_space<vmem_shared>>) dst(%dma_wait3A_83 : memref<128x16xf32, #tpu.memory_space<hbm>>)
      tpu.yield
    }) : () -> ()
    return
  }
}

#map = affine_map<(d0, d1) -> (0, 0)>
#map1 = affine_map<(d0, d1) -> (0, 0, 0)>
module attributes {stable_mosaic.version = 14 : i64} {
  func.func @_scatter_kernel(%arg0: i32, %arg1: i32, %arg2: memref<10000x128xf32, #tpu.memory_space<hbm>>, %arg3: memref<2504x128xi32, #tpu.memory_space<hbm>>, %arg4: memref<2504x128xi32, #tpu.memory_space<hbm>>, %arg5: memref<2x10240x128xf32, #tpu.memory_space<hbm>>, %arg6: memref<88x128xi32, #tpu.memory_space<vmem>>, %arg7: memref<88x128xi32, #tpu.memory_space<vmem>>, %arg8: memref<128x128xf32, #tpu.memory_space<vmem>>, %arg9: memref<10240x128xf32, #tpu.memory_space<vmem_shared>>, %arg10: memref<!tpu.dma_semaphore, #tpu.memory_space<semaphore_mem>>) attributes {dimension_semantics = [#tpu.dimension_semantics<core_parallel>, #tpu.dimension_semantics<subcore_parallel>], iteration_bounds = array<i64: 2, 16>, scalar_prefetch = 0 : i64, scratch_operands = 5 : i64, tpu.core_type = #tpu.core_type<sc_vector_subcore>, window_params = [{transform_indices = #map}, {transform_indices = #map}, {transform_indices = #map}, {transform_indices = #map1}]} {
    %mul3A = arith.constant 2 : i32
    %mul3A_0 = arith.muli %arg1, %mul3A : i32
    %add3A = arith.addi %mul3A_0, %arg0 : i32
    %lt3A = arith.constant 4 : i32
    %lt3A_1 = arith.cmpi slt, %add3A, %lt3A : i32
    %jit3A = arith.constant 79 : i32
    %jit3A_2 = arith.constant 78 : i32
    %select_n3A = arith.select %lt3A_1, %jit3A, %jit3A_2 : i32
    %mul3A_3 = arith.constant 78 : i32
    %mul3A_4 = arith.muli %mul3A_3, %add3A : i32
    %min3A = arith.constant 4 : i32
    %min3A_5 = arith.minsi %add3A, %min3A : i32
    %add3A_6 = arith.addi %mul3A_4, %min3A_5 : i32
    %jit3A_7 = arith.constant 8 : i32
    %div3A = arith.divsi %add3A_6, %jit3A_7 : i32
    %sign3A = arith.constant 0 : i32
    %sign3A_8 = arith.cmpi sgt, %add3A_6, %sign3A : i32
    %sign3A_9 = arith.extui %sign3A_8 : i1 to i32
    %sign3A_10 = arith.constant 0 : i32
    %sign3A_11 = arith.cmpi slt, %add3A_6, %sign3A_10 : i32
    %sign3A_12 = arith.extui %sign3A_11 : i1 to i32
    %sign3A_13 = arith.subi %sign3A_9, %sign3A_12 : i32
    %sign3A_14 = arith.constant 0 : i32
    %sign3A_15 = arith.cmpi sgt, %jit3A_7, %sign3A_14 : i32
    %sign3A_16 = arith.extui %sign3A_15 : i1 to i32
    %sign3A_17 = arith.constant 0 : i32
    %sign3A_18 = arith.cmpi slt, %jit3A_7, %sign3A_17 : i32
    %sign3A_19 = arith.extui %sign3A_18 : i1 to i32
    %sign3A_20 = arith.subi %sign3A_16, %sign3A_19 : i32
    %ne3A = arith.cmpi ne, %sign3A_13, %sign3A_20 : i32
    %rem3A = arith.remsi %add3A_6, %jit3A_7 : i32
    %ne3A_21 = arith.constant 0 : i32
    %ne3A_22 = arith.cmpi ne, %rem3A, %ne3A_21 : i32
    %and3A = arith.andi %ne3A, %ne3A_22 : i1
    %sub3A = arith.constant 1 : i32
    %sub3A_23 = arith.subi %div3A, %sub3A : i32
    %select_n3A_24 = arith.select %and3A, %sub3A_23, %div3A : i32
    %mul3A_25 = arith.constant 8 : i32
    %mul3A_26 = arith.muli %select_n3A_24, %mul3A_25 : i32
    %sub3A_27 = arith.subi %add3A_6, %mul3A_26 : i32
    %scan3A = arith.constant 0 : i32
    %scan3A_28 = arith.constant 0 : i32
    %scan3A_29 = arith.constant 128 : i32
    %scan3A_30 = arith.addi %scan3A_28, %scan3A_29 : i32
    %scan3A_31 = arith.constant 1 : i32
    %scan3A_32 = scf.for %scan3A_78 = %scan3A_28 to %scan3A_30 step %scan3A_31 iter_args(%scan3A_79 = %scan3A) -> (i32)  : i32 {
      %broadcast_in_dim3A = arith.constant 0.000000e+00 : f32
      %broadcast_in_dim3A_80 = vector.broadcast %broadcast_in_dim3A : f32 to vector<16xf32>
      %swap3A = arith.index_cast %scan3A_78 : i32 to index
      %swap3A_81 = arith.constant 0 : index
      %swap3A_82 = tpu.vector_load %arg8[%swap3A, %swap3A_81] {strides = array<i32>} : memref<128x128xf32, #tpu.memory_space<vmem>>, vector<1x16xf32>,
      %swap3A_83 = vector.shape_cast %swap3A_82 : vector<1x16xf32> to vector<16xf32>
      %swap3A_84 = vector.shape_cast %broadcast_in_dim3A_80 : vector<16xf32> to vector<1x16xf32>
      tpu.vector_store %arg8[%swap3A, %swap3A_81], %swap3A_84 {strides = array<i32>} : memref<128x128xf32, #tpu.memory_space<vmem>>, vector<1x16xf32>,
      %broadcast_in_dim3A_85 = arith.constant 0.000000e+00 : f32
      %broadcast_in_dim3A_86 = vector.broadcast %broadcast_in_dim3A_85 : f32 to vector<16xf32>
      %swap3A_87 = arith.index_cast %scan3A_78 : i32 to index
      %swap3A_88 = arith.constant 16 : index
      %swap3A_89 = tpu.vector_load %arg8[%swap3A_87, %swap3A_88] {strides = array<i32>} : memref<128x128xf32, #tpu.memory_space<vmem>>, vector<1x16xf32>,
      %swap3A_90 = vector.shape_cast %swap3A_89 : vector<1x16xf32> to vector<16xf32>
      %swap3A_91 = vector.shape_cast %broadcast_in_dim3A_86 : vector<16xf32> to vector<1x16xf32>
      tpu.vector_store %arg8[%swap3A_87, %swap3A_88], %swap3A_91 {strides = array<i32>} : memref<128x128xf32, #tpu.memory_space<vmem>>, vector<1x16xf32>,
      %broadcast_in_dim3A_92 = arith.constant 0.000000e+00 : f32
      %broadcast_in_dim3A_93 = vector.broadcast %broadcast_in_dim3A_92 : f32 to vector<16xf32>
      %swap3A_94 = arith.index_cast %scan3A_78 : i32 to index
      %swap3A_95 = arith.constant 32 : index
      %swap3A_96 = tpu.vector_load %arg8[%swap3A_94, %swap3A_95] {strides = array<i32>} : memref<128x128xf32, #tpu.memory_space<vmem>>, vector<1x16xf32>,
      %swap3A_97 = vector.shape_cast %swap3A_96 : vector<1x16xf32> to vector<16xf32>
      %swap3A_98 = vector.shape_cast %broadcast_in_dim3A_93 : vector<16xf32> to vector<1x16xf32>
      tpu.vector_store %arg8[%swap3A_94, %swap3A_95], %swap3A_98 {strides = array<i32>} : memref<128x128xf32, #tpu.memory_space<vmem>>, vector<1x16xf32>,
      %broadcast_in_dim3A_99 = arith.constant 0.000000e+00 : f32
      %broadcast_in_dim3A_100 = vector.broadcast %broadcast_in_dim3A_99 : f32 to vector<16xf32>
      %swap3A_101 = arith.index_cast %scan3A_78 : i32 to index
      %swap3A_102 = arith.constant 48 : index
      %swap3A_103 = tpu.vector_load %arg8[%swap3A_101, %swap3A_102] {strides = array<i32>} : memref<128x128xf32, #tpu.memory_space<vmem>>, vector<1x16xf32>,
      %swap3A_104 = vector.shape_cast %swap3A_103 : vector<1x16xf32> to vector<16xf32>
      %swap3A_105 = vector.shape_cast %broadcast_in_dim3A_100 : vector<16xf32> to vector<1x16xf32>
      tpu.vector_store %arg8[%swap3A_101, %swap3A_102], %swap3A_105 {strides = array<i32>} : memref<128x128xf32, #tpu.memory_space<vmem>>, vector<1x16xf32>,
      %broadcast_in_dim3A_106 = arith.constant 0.000000e+00 : f32
      %broadcast_in_dim3A_107 = vector.broadcast %broadcast_in_dim3A_106 : f32 to vector<16xf32>
      %swap3A_108 = arith.index_cast %scan3A_78 : i32 to index
      %swap3A_109 = arith.constant 64 : index
      %swap3A_110 = tpu.vector_load %arg8[%swap3A_108, %swap3A_109] {strides = array<i32>} : memref<128x128xf32, #tpu.memory_space<vmem>>, vector<1x16xf32>,
      %swap3A_111 = vector.shape_cast %swap3A_110 : vector<1x16xf32> to vector<16xf32>
      %swap3A_112 = vector.shape_cast %broadcast_in_dim3A_107 : vector<16xf32> to vector<1x16xf32>
      tpu.vector_store %arg8[%swap3A_108, %swap3A_109], %swap3A_112 {strides = array<i32>} : memref<128x128xf32, #tpu.memory_space<vmem>>, vector<1x16xf32>,
      %broadcast_in_dim3A_113 = arith.constant 0.000000e+00 : f32
      %broadcast_in_dim3A_114 = vector.broadcast %broadcast_in_dim3A_113 : f32 to vector<16xf32>
      %swap3A_115 = arith.index_cast %scan3A_78 : i32 to index
      %swap3A_116 = arith.constant 80 : index
      %swap3A_117 = tpu.vector_load %arg8[%swap3A_115, %swap3A_116] {strides = array<i32>} : memref<128x128xf32, #tpu.memory_space<vmem>>, vector<1x16xf32>,
      %swap3A_118 = vector.shape_cast %swap3A_117 : vector<1x16xf32> to vector<16xf32>
      %swap3A_119 = vector.shape_cast %broadcast_in_dim3A_114 : vector<16xf32> to vector<1x16xf32>
      tpu.vector_store %arg8[%swap3A_115, %swap3A_116], %swap3A_119 {strides = array<i32>} : memref<128x128xf32, #tpu.memory_space<vmem>>, vector<1x16xf32>,
      %broadcast_in_dim3A_120 = arith.constant 0.000000e+00 : f32
      %broadcast_in_dim3A_121 = vector.broadcast %broadcast_in_dim3A_120 : f32 to vector<16xf32>
      %swap3A_122 = arith.index_cast %scan3A_78 : i32 to index
      %swap3A_123 = arith.constant 96 : index
      %swap3A_124 = tpu.vector_load %arg8[%swap3A_122, %swap3A_123] {strides = array<i32>} : memref<128x128xf32, #tpu.memory_space<vmem>>, vector<1x16xf32>,
      %swap3A_125 = vector.shape_cast %swap3A_124 : vector<1x16xf32> to vector<16xf32>
      %swap3A_126 = vector.shape_cast %broadcast_in_dim3A_121 : vector<16xf32> to vector<1x16xf32>
      tpu.vector_store %arg8[%swap3A_122, %swap3A_123], %swap3A_126 {strides = array<i32>} : memref<128x128xf32, #tpu.memory_space<vmem>>, vector<1x16xf32>,
      %broadcast_in_dim3A_127 = arith.constant 0.000000e+00 : f32
      %broadcast_in_dim3A_128 = vector.broadcast %broadcast_in_dim3A_127 : f32 to vector<16xf32>
      %swap3A_129 = arith.index_cast %scan3A_78 : i32 to index
      %swap3A_130 = arith.constant 112 : index
      %swap3A_131 = tpu.vector_load %arg8[%swap3A_129, %swap3A_130] {strides = array<i32>} : memref<128x128xf32, #tpu.memory_space<vmem>>, vector<1x16xf32>,
      %swap3A_132 = vector.shape_cast %swap3A_131 : vector<1x16xf32> to vector<16xf32>
      %swap3A_133 = vector.shape_cast %broadcast_in_dim3A_128 : vector<16xf32> to vector<1x16xf32>
      tpu.vector_store %arg8[%swap3A_129, %swap3A_130], %swap3A_133 {strides = array<i32>} : memref<128x128xf32, #tpu.memory_space<vmem>>, vector<1x16xf32>,
      %scan3A_134 = arith.constant 0 : i32
      scf.yield %scan3A_134 : i32
    }
    %scan3A_33 = arith.constant 128 : i32
    %mul3A_34 = arith.constant 640 : i32
    %mul3A_35 = arith.muli %arg1, %mul3A_34 : i32
    %add3A_36 = arith.constant 0 : i32
    %add3A_37 = arith.addi %mul3A_35, %add3A_36 : i32
    "tpu.region"() ({
      %run_scoped3A = tpu.sem_alloc : memref<!tpu.dma_semaphore, #tpu.memory_space<semaphore_mem>>
      %dma_start3A = arith.constant 0 : i32
      %dma_start3A_78 = tpu.memref_slice %arg9[%add3A_37, %dma_start3A] : memref<10240x128xf32, #tpu.memory_space<vmem_shared>> -> memref<128x128xf32, #tpu.memory_space<vmem_shared>>
      %dma_start3A_79 = arith.constant 0 : i32
      %dma_start3A_80 = tpu.memref_slice %arg9[%add3A_37, %dma_start3A_79] : memref<10240x128xf32, #tpu.memory_space<vmem_shared>> -> memref<128x128xf32, #tpu.memory_space<vmem_shared>>
      tpu.enqueue_dma source(%arg8 : memref<128x128xf32, #tpu.memory_space<vmem>>) target(%dma_start3A_80 : memref<128x128xf32, #tpu.memory_space<vmem_shared>>) target_semaphore(%run_scoped3A : memref<!tpu.dma_semaphore, #tpu.memory_space<semaphore_mem>>)
      %dma_wait3A = arith.constant 0 : i32
      %dma_wait3A_81 = tpu.memref_slice %arg9[%add3A_37, %dma_wait3A] : memref<10240x128xf32, #tpu.memory_space<vmem_shared>> -> memref<128x128xf32, #tpu.memory_space<vmem_shared>>
      %dma_wait3A_82 = arith.constant 0 : i32
      %dma_wait3A_83 = tpu.memref_slice %arg9[%add3A_37, %dma_wait3A_82] : memref<10240x128xf32, #tpu.memory_space<vmem_shared>> -> memref<128x128xf32, #tpu.memory_space<vmem_shared>>
      tpu.wait_dma2 semaphore(%run_scoped3A : memref<!tpu.dma_semaphore, #tpu.memory_space<semaphore_mem>>) src(%arg8 : memref<128x128xf32, #tpu.memory_space<vmem>>) dst(%dma_wait3A_83 : memref<128x128xf32, #tpu.memory_space<vmem_shared>>)
      tpu.yield
    }) : () -> ()
    %add3A_38 = arith.constant 128 : i32
    %add3A_39 = arith.addi %mul3A_35, %add3A_38 : i32
    "tpu.region"() ({
      %run_scoped3A = tpu.sem_alloc : memref<!tpu.dma_semaphore, #tpu.memory_space<semaphore_mem>>
      %dma_start3A = arith.constant 0 : i32
      %dma_start3A_78 = tpu.memref_slice %arg9[%add3A_39, %dma_start3A] : memref<10240x128xf32, #tpu.memory_space<vmem_shared>> -> memref<128x128xf32, #tpu.memory_space<vmem_shared>>
      %dma_start3A_79 = arith.constant 0 : i32
      %dma_start3A_80 = tpu.memref_slice %arg9[%add3A_39, %dma_start3A_79] : memref<10240x128xf32, #tpu.memory_space<vmem_shared>> -> memref<128x128xf32, #tpu.memory_space<vmem_shared>>
      tpu.enqueue_dma source(%arg8 : memref<128x128xf32, #tpu.memory_space<vmem>>) target(%dma_start3A_80 : memref<128x128xf32, #tpu.memory_space<vmem_shared>>) target_semaphore(%run_scoped3A : memref<!tpu.dma_semaphore, #tpu.memory_space<semaphore_mem>>)
      %dma_wait3A = arith.constant 0 : i32
      %dma_wait3A_81 = tpu.memref_slice %arg9[%add3A_39, %dma_wait3A] : memref<10240x128xf32, #tpu.memory_space<vmem_shared>> -> memref<128x128xf32, #tpu.memory_space<vmem_shared>>
      %dma_wait3A_82 = arith.constant 0 : i32
      %dma_wait3A_83 = tpu.memref_slice %arg9[%add3A_39, %dma_wait3A_82] : memref<10240x128xf32, #tpu.memory_space<vmem_shared>> -> memref<128x128xf32, #tpu.memory_space<vmem_shared>>
      tpu.wait_dma2 semaphore(%run_scoped3A : memref<!tpu.dma_semaphore, #tpu.memory_space<semaphore_mem>>) src(%arg8 : memref<128x128xf32, #tpu.memory_space<vmem>>) dst(%dma_wait3A_83 : memref<128x128xf32, #tpu.memory_space<vmem_shared>>)
      tpu.yield
    }) : () -> ()
    %add3A_40 = arith.constant 256 : i32
    %add3A_41 = arith.addi %mul3A_35, %add3A_40 : i32
    "tpu.region"() ({
      %run_scoped3A = tpu.sem_alloc : memref<!tpu.dma_semaphore, #tpu.memory_space<semaphore_mem>>
      %dma_start3A = arith.constant 0 : i32
      %dma_start3A_78 = tpu.memref_slice %arg9[%add3A_41, %dma_start3A] : memref<10240x128xf32, #tpu.memory_space<vmem_shared>> -> memref<128x128xf32, #tpu.memory_space<vmem_shared>>
      %dma_start3A_79 = arith.constant 0 : i32
      %dma_start3A_80 = tpu.memref_slice %arg9[%add3A_41, %dma_start3A_79] : memref<10240x128xf32, #tpu.memory_space<vmem_shared>> -> memref<128x128xf32, #tpu.memory_space<vmem_shared>>
      tpu.enqueue_dma source(%arg8 : memref<128x128xf32, #tpu.memory_space<vmem>>) target(%dma_start3A_80 : memref<128x128xf32, #tpu.memory_space<vmem_shared>>) target_semaphore(%run_scoped3A : memref<!tpu.dma_semaphore, #tpu.memory_space<semaphore_mem>>)
      %dma_wait3A = arith.constant 0 : i32
      %dma_wait3A_81 = tpu.memref_slice %arg9[%add3A_41, %dma_wait3A] : memref<10240x128xf32, #tpu.memory_space<vmem_shared>> -> memref<128x128xf32, #tpu.memory_space<vmem_shared>>
      %dma_wait3A_82 = arith.constant 0 : i32
      %dma_wait3A_83 = tpu.memref_slice %arg9[%add3A_41, %dma_wait3A_82] : memref<10240x128xf32, #tpu.memory_space<vmem_shared>> -> memref<128x128xf32, #tpu.memory_space<vmem_shared>>
      tpu.wait_dma2 semaphore(%run_scoped3A : memref<!tpu.dma_semaphore, #tpu.memory_space<semaphore_mem>>) src(%arg8 : memref<128x128xf32, #tpu.memory_space<vmem>>) dst(%dma_wait3A_83 : memref<128x128xf32, #tpu.memory_space<vmem_shared>>)
      tpu.yield
    }) : () -> ()
    %add3A_42 = arith.constant 384 : i32
    %add3A_43 = arith.addi %mul3A_35, %add3A_42 : i32
    "tpu.region"() ({
      %run_scoped3A = tpu.sem_alloc : memref<!tpu.dma_semaphore, #tpu.memory_space<semaphore_mem>>
      %dma_start3A = arith.constant 0 : i32
      %dma_start3A_78 = tpu.memref_slice %arg9[%add3A_43, %dma_start3A] : memref<10240x128xf32, #tpu.memory_space<vmem_shared>> -> memref<128x128xf32, #tpu.memory_space<vmem_shared>>
      %dma_start3A_79 = arith.constant 0 : i32
      %dma_start3A_80 = tpu.memref_slice %arg9[%add3A_43, %dma_start3A_79] : memref<10240x128xf32, #tpu.memory_space<vmem_shared>> -> memref<128x128xf32, #tpu.memory_space<vmem_shared>>
      tpu.enqueue_dma source(%arg8 : memref<128x128xf32, #tpu.memory_space<vmem>>) target(%dma_start3A_80 : memref<128x128xf32, #tpu.memory_space<vmem_shared>>) target_semaphore(%run_scoped3A : memref<!tpu.dma_semaphore, #tpu.memory_space<semaphore_mem>>)
      %dma_wait3A = arith.constant 0 : i32
      %dma_wait3A_81 = tpu.memref_slice %arg9[%add3A_43, %dma_wait3A] : memref<10240x128xf32, #tpu.memory_space<vmem_shared>> -> memref<128x128xf32, #tpu.memory_space<vmem_shared>>
      %dma_wait3A_82 = arith.constant 0 : i32
      %dma_wait3A_83 = tpu.memref_slice %arg9[%add3A_43, %dma_wait3A_82] : memref<10240x128xf32, #tpu.memory_space<vmem_shared>> -> memref<128x128xf32, #tpu.memory_space<vmem_shared>>
      tpu.wait_dma2 semaphore(%run_scoped3A : memref<!tpu.dma_semaphore, #tpu.memory_space<semaphore_mem>>) src(%arg8 : memref<128x128xf32, #tpu.memory_space<vmem>>) dst(%dma_wait3A_83 : memref<128x128xf32, #tpu.memory_space<vmem_shared>>)
      tpu.yield
    }) : () -> ()
    %add3A_44 = arith.constant 512 : i32
    %add3A_45 = arith.addi %mul3A_35, %add3A_44 : i32
    "tpu.region"() ({
      %run_scoped3A = tpu.sem_alloc : memref<!tpu.dma_semaphore, #tpu.memory_space<semaphore_mem>>
      %dma_start3A = arith.constant 0 : i32
      %dma_start3A_78 = tpu.memref_slice %arg9[%add3A_45, %dma_start3A] : memref<10240x128xf32, #tpu.memory_space<vmem_shared>> -> memref<128x128xf32, #tpu.memory_space<vmem_shared>>
      %dma_start3A_79 = arith.constant 0 : i32
      %dma_start3A_80 = tpu.memref_slice %arg9[%add3A_45, %dma_start3A_79] : memref<10240x128xf32, #tpu.memory_space<vmem_shared>> -> memref<128x128xf32, #tpu.memory_space<vmem_shared>>
      tpu.enqueue_dma source(%arg8 : memref<128x128xf32, #tpu.memory_space<vmem>>) target(%dma_start3A_80 : memref<128x128xf32, #tpu.memory_space<vmem_shared>>) target_semaphore(%run_scoped3A : memref<!tpu.dma_semaphore, #tpu.memory_space<semaphore_mem>>)
      %dma_wait3A = arith.constant 0 : i32
      %dma_wait3A_81 = tpu.memref_slice %arg9[%add3A_45, %dma_wait3A] : memref<10240x128xf32, #tpu.memory_space<vmem_shared>> -> memref<128x128xf32, #tpu.memory_space<vmem_shared>>
      %dma_wait3A_82 = arith.constant 0 : i32
      %dma_wait3A_83 = tpu.memref_slice %arg9[%add3A_45, %dma_wait3A_82] : memref<10240x128xf32, #tpu.memory_space<vmem_shared>> -> memref<128x128xf32, #tpu.memory_space<vmem_shared>>
      tpu.wait_dma2 semaphore(%run_scoped3A : memref<!tpu.dma_semaphore, #tpu.memory_space<semaphore_mem>>) src(%arg8 : memref<128x128xf32, #tpu.memory_space<vmem>>) dst(%dma_wait3A_83 : memref<128x128xf32, #tpu.memory_space<vmem_shared>>)
      tpu.yield
    }) : () -> ()
    %barrier3A = arith.constant 0 : index
    tpu.barrier barrier_id(%barrier3A)
    "tpu.region"() ({
      %run_scoped3A = tpu.sem_alloc : memref<!tpu.dma_semaphore, #tpu.memory_space<semaphore_mem>>
      %dma_start3A = arith.constant 0 : i32
      %dma_start3A_78 = tpu.memref_slice %arg3[%mul3A_26, %dma_start3A] : memref<2504x128xi32, #tpu.memory_space<hbm>> -> memref<88x128xi32, #tpu.memory_space<hbm>>
      %dma_start3A_79 = arith.constant 0 : i32
      %dma_start3A_80 = tpu.memref_slice %arg3[%mul3A_26, %dma_start3A_79] : memref<2504x128xi32, #tpu.memory_space<hbm>> -> memref<88x128xi32, #tpu.memory_space<hbm>>
      tpu.enqueue_dma source(%dma_start3A_80 : memref<88x128xi32, #tpu.memory_space<hbm>>) target(%arg6 : memref<88x128xi32, #tpu.memory_space<vmem>>) target_semaphore(%run_scoped3A : memref<!tpu.dma_semaphore, #tpu.memory_space<semaphore_mem>>)
      %dma_wait3A = arith.constant 0 : i32
      %dma_wait3A_81 = tpu.memref_slice %arg3[%mul3A_26, %dma_wait3A] : memref<2504x128xi32, #tpu.memory_space<hbm>> -> memref<88x128xi32, #tpu.memory_space<hbm>>
      %dma_wait3A_82 = arith.constant 0 : i32
      %dma_wait3A_83 = tpu.memref_slice %arg3[%mul3A_26, %dma_wait3A_82] : memref<2504x128xi32, #tpu.memory_space<hbm>> -> memref<88x128xi32, #tpu.memory_space<hbm>>
      tpu.wait_dma2 semaphore(%run_scoped3A : memref<!tpu.dma_semaphore, #tpu.memory_space<semaphore_mem>>) src(%dma_wait3A_83 : memref<88x128xi32, #tpu.memory_space<hbm>>) dst(%arg6 : memref<88x128xi32, #tpu.memory_space<vmem>>)
      tpu.yield
    }) : () -> ()
    "tpu.region"() ({
      %run_scoped3A = tpu.sem_alloc : memref<!tpu.dma_semaphore, #tpu.memory_space<semaphore_mem>>
      %dma_start3A = arith.constant 0 : i32
      %dma_start3A_78 = tpu.memref_slice %arg4[%mul3A_26, %dma_start3A] : memref<2504x128xi32, #tpu.memory_space<hbm>> -> memref<88x128xi32, #tpu.memory_space<hbm>>
      %dma_start3A_79 = arith.constant 0 : i32
      %dma_start3A_80 = tpu.memref_slice %arg4[%mul3A_26, %dma_start3A_79] : memref<2504x128xi32, #tpu.memory_space<hbm>> -> memref<88x128xi32, #tpu.memory_space<hbm>>
      tpu.enqueue_dma source(%dma_start3A_80 : memref<88x128xi32, #tpu.memory_space<hbm>>) target(%arg7 : memref<88x128xi32, #tpu.memory_space<vmem>>) target_semaphore(%run_scoped3A : memref<!tpu.dma_semaphore, #tpu.memory_space<semaphore_mem>>)
      %dma_wait3A = arith.constant 0 : i32
      %dma_wait3A_81 = tpu.memref_slice %arg4[%mul3A_26, %dma_wait3A] : memref<2504x128xi32, #tpu.memory_space<hbm>> -> memref<88x128xi32, #tpu.memory_space<hbm>>
      %dma_wait3A_82 = arith.constant 0 : i32
      %dma_wait3A_83 = tpu.memref_slice %arg4[%mul3A_26, %dma_wait3A_82] : memref<2504x128xi32, #tpu.memory_space<hbm>> -> memref<88x128xi32, #tpu.memory_space<hbm>>
      tpu.wait_dma2 semaphore(%run_scoped3A : memref<!tpu.dma_semaphore, #tpu.memory_space<semaphore_mem>>) src(%dma_wait3A_83 : memref<88x128xi32, #tpu.memory_space<hbm>>) dst(%arg7 : memref<88x128xi32, #tpu.memory_space<vmem>>)
      tpu.yield
    }) : () -> ()
    %while3A = arith.constant 0 : i32
    %while3A_46 = arith.constant 0 : i32
    %while3A_47 = arith.subi %select_n3A, %while3A : i32
    %while3A_48 = arith.addi %while3A, %while3A_47 : i32
    %while3A_49 = arith.constant 1 : i32
    %while3A_50 = arith.divsi %while3A_47, %while3A_49 : i32
    %while3A_51 = arith.muli %while3A_50, %while3A_49 : i32
    %while3A_52 = arith.addi %while3A, %while3A_51 : i32
    %while3A_53 = arith.constant 1 : i32
    %while3A_54 = scf.for %while3A_78 = %while3A to %while3A_52 step %while3A_53 iter_args(%while3A_79 = %while3A_46) -> (i32)  : i32 {
      %add3A_80 = arith.addi %sub3A_27, %while3A_78 : i32
      %dma_start3A = arith.constant 0 : i32
      %dma_start3A_81 = tpu.memref_slice %arg6[%add3A_80, %dma_start3A] : memref<88x128xi32, #tpu.memory_space<vmem>> -> memref<1x128xi32, #tpu.memory_space<vmem>>
      %dma_start3A_82 = tpu.memref_squeeze %dma_start3A_81 : memref<1x128xi32, #tpu.memory_space<vmem>> -> memref<128xi32, #tpu.memory_space<vmem>>
      %dma_start3A_83 = arith.constant 0 : i32
      %dma_start3A_84 = arith.constant 0 : i32
      %dma_start3A_85 = tpu.memref_slice %arg2[%dma_start3A_83, %dma_start3A_84] : memref<10000x128xf32, #tpu.memory_space<hbm>> -> memref<10000x128xf32, #tpu.memory_space<hbm>>
      tpu.enqueue_indirect_dma source(%dma_start3A_85 : memref<10000x128xf32, #tpu.memory_space<hbm>>) target(%arg8 : memref<128x128xf32, #tpu.memory_space<vmem>>) offsets(%dma_start3A_82 : memref<128xi32, #tpu.memory_space<vmem>>) semaphore(%arg10 : memref<!tpu.dma_semaphore, #tpu.memory_space<semaphore_mem>>)
      %dma_wait3A = arith.constant 0 : i32
      %dma_wait3A_86 = tpu.memref_slice %arg6[%add3A_80, %dma_wait3A] : memref<88x128xi32, #tpu.memory_space<vmem>> -> memref<1x128xi32, #tpu.memory_space<vmem>>
      %dma_wait3A_87 = tpu.memref_squeeze %dma_wait3A_86 : memref<1x128xi32, #tpu.memory_space<vmem>> -> memref<128xi32, #tpu.memory_space<vmem>>
      %dma_wait3A_88 = arith.constant 0 : i32
      %dma_wait3A_89 = arith.constant 0 : i32
      %dma_wait3A_90 = tpu.memref_slice %arg2[%dma_wait3A_88, %dma_wait3A_89] : memref<10000x128xf32, #tpu.memory_space<hbm>> -> memref<10000x128xf32, #tpu.memory_space<hbm>>
      tpu.wait_indirect_dma semaphore(%arg10 : memref<!tpu.dma_semaphore, #tpu.memory_space<semaphore_mem>>) src(%dma_wait3A_90 : memref<10000x128xf32, #tpu.memory_space<hbm>>) dst(%arg8 : memref<128x128xf32, #tpu.memory_space<vmem>>)
      %add3A_91 = arith.addi %sub3A_27, %while3A_78 : i32
      "tpu.region"() ({
        %run_scoped3A = tpu.sem_alloc : memref<!tpu.dma_semaphore, #tpu.memory_space<semaphore_mem>>
        %dma_start3A_93 = arith.constant 0 : i32
        %dma_start3A_94 = tpu.memref_slice %arg7[%add3A_91, %dma_start3A_93] : memref<88x128xi32, #tpu.memory_space<vmem>> -> memref<1x128xi32, #tpu.memory_space<vmem>>
        %dma_start3A_95 = tpu.memref_squeeze %dma_start3A_94 : memref<1x128xi32, #tpu.memory_space<vmem>> -> memref<128xi32, #tpu.memory_space<vmem>>
        %dma_start3A_96 = arith.constant 0 : i32
        %dma_start3A_97 = arith.constant 0 : i32
        %dma_start3A_98 = tpu.memref_slice %arg9[%dma_start3A_96, %dma_start3A_97] : memref<10240x128xf32, #tpu.memory_space<vmem_shared>> -> memref<10240x128xf32, #tpu.memory_space<vmem_shared>>
        tpu.enqueue_indirect_dma source(%arg8 : memref<128x128xf32, #tpu.memory_space<vmem>>) target(%dma_start3A_98 : memref<10240x128xf32, #tpu.memory_space<vmem_shared>>) offsets(%dma_start3A_95 : memref<128xi32, #tpu.memory_space<vmem>>) semaphore(%run_scoped3A : memref<!tpu.dma_semaphore, #tpu.memory_space<semaphore_mem>>) {add = true}
        %dma_wait3A_99 = arith.constant 0 : i32
        %dma_wait3A_100 = tpu.memref_slice %arg7[%add3A_91, %dma_wait3A_99] : memref<88x128xi32, #tpu.memory_space<vmem>> -> memref<1x128xi32, #tpu.memory_space<vmem>>
        %dma_wait3A_101 = tpu.memref_squeeze %dma_wait3A_100 : memref<1x128xi32, #tpu.memory_space<vmem>> -> memref<128xi32, #tpu.memory_space<vmem>>
        %dma_wait3A_102 = arith.constant 0 : i32
        %dma_wait3A_103 = arith.constant 0 : i32
        %dma_wait3A_104 = tpu.memref_slice %arg9[%dma_wait3A_102, %dma_wait3A_103] : memref<10240x128xf32, #tpu.memory_space<vmem_shared>> -> memref<10240x128xf32, #tpu.memory_space<vmem_shared>>
        tpu.wait_indirect_dma semaphore(%run_scoped3A : memref<!tpu.dma_semaphore, #tpu.memory_space<semaphore_mem>>) src(%arg8 : memref<128x128xf32, #tpu.memory_space<vmem>>) dst(%dma_wait3A_104 : memref<10240x128xf32, #tpu.memory_space<vmem_shared>>)
        tpu.yield
      }) : () -> ()
      %while3A_92 = arith.constant 0 : i32
      scf.yield %while3A_92 : i32
    }
    %while3A_55 = arith.constant 1 : i32
    %while3A_56 = scf.for %while3A_78 = %while3A_52 to %while3A_48 step %while3A_55 iter_args(%while3A_79 = %while3A_54) -> (i32)  : i32 {
      %add3A_80 = arith.addi %sub3A_27, %while3A_78 : i32
      %dma_start3A = arith.constant 0 : i32
      %dma_start3A_81 = tpu.memref_slice %arg6[%add3A_80, %dma_start3A] : memref<88x128xi32, #tpu.memory_space<vmem>> -> memref<1x128xi32, #tpu.memory_space<vmem>>
      %dma_start3A_82 = tpu.memref_squeeze %dma_start3A_81 : memref<1x128xi32, #tpu.memory_space<vmem>> -> memref<128xi32, #tpu.memory_space<vmem>>
      %dma_start3A_83 = arith.constant 0 : i32
      %dma_start3A_84 = arith.constant 0 : i32
      %dma_start3A_85 = tpu.memref_slice %arg2[%dma_start3A_83, %dma_start3A_84] : memref<10000x128xf32, #tpu.memory_space<hbm>> -> memref<10000x128xf32, #tpu.memory_space<hbm>>
      tpu.enqueue_indirect_dma source(%dma_start3A_85 : memref<10000x128xf32, #tpu.memory_space<hbm>>) target(%arg8 : memref<128x128xf32, #tpu.memory_space<vmem>>) offsets(%dma_start3A_82 : memref<128xi32, #tpu.memory_space<vmem>>) semaphore(%arg10 : memref<!tpu.dma_semaphore, #tpu.memory_space<semaphore_mem>>)
      %dma_wait3A = arith.constant 0 : i32
      %dma_wait3A_86 = tpu.memref_slice %arg6[%add3A_80, %dma_wait3A] : memref<88x128xi32, #tpu.memory_space<vmem>> -> memref<1x128xi32, #tpu.memory_space<vmem>>
      %dma_wait3A_87 = tpu.memref_squeeze %dma_wait3A_86 : memref<1x128xi32, #tpu.memory_space<vmem>> -> memref<128xi32, #tpu.memory_space<vmem>>
      %dma_wait3A_88 = arith.constant 0 : i32
      %dma_wait3A_89 = arith.constant 0 : i32
      %dma_wait3A_90 = tpu.memref_slice %arg2[%dma_wait3A_88, %dma_wait3A_89] : memref<10000x128xf32, #tpu.memory_space<hbm>> -> memref<10000x128xf32, #tpu.memory_space<hbm>>
      tpu.wait_indirect_dma semaphore(%arg10 : memref<!tpu.dma_semaphore, #tpu.memory_space<semaphore_mem>>) src(%dma_wait3A_90 : memref<10000x128xf32, #tpu.memory_space<hbm>>) dst(%arg8 : memref<128x128xf32, #tpu.memory_space<vmem>>)
      %add3A_91 = arith.addi %sub3A_27, %while3A_78 : i32
      "tpu.region"() ({
        %run_scoped3A = tpu.sem_alloc : memref<!tpu.dma_semaphore, #tpu.memory_space<semaphore_mem>>
        %dma_start3A_93 = arith.constant 0 : i32
        %dma_start3A_94 = tpu.memref_slice %arg7[%add3A_91, %dma_start3A_93] : memref<88x128xi32, #tpu.memory_space<vmem>> -> memref<1x128xi32, #tpu.memory_space<vmem>>
        %dma_start3A_95 = tpu.memref_squeeze %dma_start3A_94 : memref<1x128xi32, #tpu.memory_space<vmem>> -> memref<128xi32, #tpu.memory_space<vmem>>
        %dma_start3A_96 = arith.constant 0 : i32
        %dma_start3A_97 = arith.constant 0 : i32
        %dma_start3A_98 = tpu.memref_slice %arg9[%dma_start3A_96, %dma_start3A_97] : memref<10240x128xf32, #tpu.memory_space<vmem_shared>> -> memref<10240x128xf32, #tpu.memory_space<vmem_shared>>
        tpu.enqueue_indirect_dma source(%arg8 : memref<128x128xf32, #tpu.memory_space<vmem>>) target(%dma_start3A_98 : memref<10240x128xf32, #tpu.memory_space<vmem_shared>>) offsets(%dma_start3A_95 : memref<128xi32, #tpu.memory_space<vmem>>) semaphore(%run_scoped3A : memref<!tpu.dma_semaphore, #tpu.memory_space<semaphore_mem>>) {add = true}
        %dma_wait3A_99 = arith.constant 0 : i32
        %dma_wait3A_100 = tpu.memref_slice %arg7[%add3A_91, %dma_wait3A_99] : memref<88x128xi32, #tpu.memory_space<vmem>> -> memref<1x128xi32, #tpu.memory_space<vmem>>
        %dma_wait3A_101 = tpu.memref_squeeze %dma_wait3A_100 : memref<1x128xi32, #tpu.memory_space<vmem>> -> memref<128xi32, #tpu.memory_space<vmem>>
        %dma_wait3A_102 = arith.constant 0 : i32
        %dma_wait3A_103 = arith.constant 0 : i32
        %dma_wait3A_104 = tpu.memref_slice %arg9[%dma_wait3A_102, %dma_wait3A_103] : memref<10240x128xf32, #tpu.memory_space<vmem_shared>> -> memref<10240x128xf32, #tpu.memory_space<vmem_shared>>
        tpu.wait_indirect_dma semaphore(%run_scoped3A : memref<!tpu.dma_semaphore, #tpu.memory_space<semaphore_mem>>) src(%arg8 : memref<128x128xf32, #tpu.memory_space<vmem>>) dst(%dma_wait3A_104 : memref<10240x128xf32, #tpu.memory_space<vmem_shared>>)
        tpu.yield
      }) : () -> ()
      %while3A_92 = arith.constant 0 : i32
      scf.yield %while3A_92 : i32
    }
    %barrier3A_57 = arith.constant 0 : index
    tpu.barrier barrier_id(%barrier3A_57)
    %add3A_58 = arith.constant 0 : i32
    %add3A_59 = arith.addi %mul3A_35, %add3A_58 : i32
    %add3A_60 = arith.constant 0 : i32
    %add3A_61 = arith.addi %mul3A_35, %add3A_60 : i32
    "tpu.region"() ({
      %run_scoped3A = tpu.sem_alloc : memref<!tpu.dma_semaphore, #tpu.memory_space<semaphore_mem>>
      %dma_start3A = arith.constant 0 : i32
      %dma_start3A_78 = tpu.memref_slice %arg5[%arg0, %add3A_61, %dma_start3A] : memref<2x10240x128xf32, #tpu.memory_space<hbm>> -> memref<1x128x128xf32, #tpu.memory_space<hbm>>
      %dma_start3A_79 = tpu.memref_squeeze %dma_start3A_78 : memref<1x128x128xf32, #tpu.memory_space<hbm>> -> memref<128x128xf32, #tpu.memory_space<hbm>>
      %dma_start3A_80 = arith.constant 0 : i32
      %dma_start3A_81 = tpu.memref_slice %arg9[%add3A_59, %dma_start3A_80] : memref<10240x128xf32, #tpu.memory_space<vmem_shared>> -> memref<128x128xf32, #tpu.memory_space<vmem_shared>>
      tpu.enqueue_dma source(%dma_start3A_81 : memref<128x128xf32, #tpu.memory_space<vmem_shared>>) target(%dma_start3A_79 : memref<128x128xf32, #tpu.memory_space<hbm>>) target_semaphore(%run_scoped3A : memref<!tpu.dma_semaphore, #tpu.memory_space<semaphore_mem>>)
      %dma_wait3A = arith.constant 0 : i32
      %dma_wait3A_82 = tpu.memref_slice %arg5[%arg0, %add3A_61, %dma_wait3A] : memref<2x10240x128xf32, #tpu.memory_space<hbm>> -> memref<1x128x128xf32, #tpu.memory_space<hbm>>
      %dma_wait3A_83 = tpu.memref_squeeze %dma_wait3A_82 : memref<1x128x128xf32, #tpu.memory_space<hbm>> -> memref<128x128xf32, #tpu.memory_space<hbm>>
      %dma_wait3A_84 = arith.constant 0 : i32
      %dma_wait3A_85 = tpu.memref_slice %arg9[%add3A_59, %dma_wait3A_84] : memref<10240x128xf32, #tpu.memory_space<vmem_shared>> -> memref<128x128xf32, #tpu.memory_space<vmem_shared>>
      tpu.wait_dma2 semaphore(%run_scoped3A : memref<!tpu.dma_semaphore, #tpu.memory_space<semaphore_mem>>) src(%dma_wait3A_85 : memref<128x128xf32, #tpu.memory_space<vmem_shared>>) dst(%dma_wait3A_83 : memref<128x128xf32, #tpu.memory_space<hbm>>)
      tpu.yield
    }) : () -> ()
    %add3A_62 = arith.constant 128 : i32
    %add3A_63 = arith.addi %mul3A_35, %add3A_62 : i32
    %add3A_64 = arith.constant 128 : i32
    %add3A_65 = arith.addi %mul3A_35, %add3A_64 : i32
    "tpu.region"() ({
      %run_scoped3A = tpu.sem_alloc : memref<!tpu.dma_semaphore, #tpu.memory_space<semaphore_mem>>
      %dma_start3A = arith.constant 0 : i32
      %dma_start3A_78 = tpu.memref_slice %arg5[%arg0, %add3A_65, %dma_start3A] : memref<2x10240x128xf32, #tpu.memory_space<hbm>> -> memref<1x128x128xf32, #tpu.memory_space<hbm>>
      %dma_start3A_79 = tpu.memref_squeeze %dma_start3A_78 : memref<1x128x128xf32, #tpu.memory_space<hbm>> -> memref<128x128xf32, #tpu.memory_space<hbm>>
      %dma_start3A_80 = arith.constant 0 : i32
      %dma_start3A_81 = tpu.memref_slice %arg9[%add3A_63, %dma_start3A_80] : memref<10240x128xf32, #tpu.memory_space<vmem_shared>> -> memref<128x128xf32, #tpu.memory_space<vmem_shared>>
      tpu.enqueue_dma source(%dma_start3A_81 : memref<128x128xf32, #tpu.memory_space<vmem_shared>>) target(%dma_start3A_79 : memref<128x128xf32, #tpu.memory_space<hbm>>) target_semaphore(%run_scoped3A : memref<!tpu.dma_semaphore, #tpu.memory_space<semaphore_mem>>)
      %dma_wait3A = arith.constant 0 : i32
      %dma_wait3A_82 = tpu.memref_slice %arg5[%arg0, %add3A_65, %dma_wait3A] : memref<2x10240x128xf32, #tpu.memory_space<hbm>> -> memref<1x128x128xf32, #tpu.memory_space<hbm>>
      %dma_wait3A_83 = tpu.memref_squeeze %dma_wait3A_82 : memref<1x128x128xf32, #tpu.memory_space<hbm>> -> memref<128x128xf32, #tpu.memory_space<hbm>>
      %dma_wait3A_84 = arith.constant 0 : i32
      %dma_wait3A_85 = tpu.memref_slice %arg9[%add3A_63, %dma_wait3A_84] : memref<10240x128xf32, #tpu.memory_space<vmem_shared>> -> memref<128x128xf32, #tpu.memory_space<vmem_shared>>
      tpu.wait_dma2 semaphore(%run_scoped3A : memref<!tpu.dma_semaphore, #tpu.memory_space<semaphore_mem>>) src(%dma_wait3A_85 : memref<128x128xf32, #tpu.memory_space<vmem_shared>>) dst(%dma_wait3A_83 : memref<128x128xf32, #tpu.memory_space<hbm>>)
      tpu.yield
    }) : () -> ()
    %add3A_66 = arith.constant 256 : i32
    %add3A_67 = arith.addi %mul3A_35, %add3A_66 : i32
    %add3A_68 = arith.constant 256 : i32
    %add3A_69 = arith.addi %mul3A_35, %add3A_68 : i32
    "tpu.region"() ({
      %run_scoped3A = tpu.sem_alloc : memref<!tpu.dma_semaphore, #tpu.memory_space<semaphore_mem>>
      %dma_start3A = arith.constant 0 : i32
      %dma_start3A_78 = tpu.memref_slice %arg5[%arg0, %add3A_69, %dma_start3A] : memref<2x10240x128xf32, #tpu.memory_space<hbm>> -> memref<1x128x128xf32, #tpu.memory_space<hbm>>
      %dma_start3A_79 = tpu.memref_squeeze %dma_start3A_78 : memref<1x128x128xf32, #tpu.memory_space<hbm>> -> memref<128x128xf32, #tpu.memory_space<hbm>>
      %dma_start3A_80 = arith.constant 0 : i32
      %dma_start3A_81 = tpu.memref_slice %arg9[%add3A_67, %dma_start3A_80] : memref<10240x128xf32, #tpu.memory_space<vmem_shared>> -> memref<128x128xf32, #tpu.memory_space<vmem_shared>>
      tpu.enqueue_dma source(%dma_start3A_81 : memref<128x128xf32, #tpu.memory_space<vmem_shared>>) target(%dma_start3A_79 : memref<128x128xf32, #tpu.memory_space<hbm>>) target_semaphore(%run_scoped3A : memref<!tpu.dma_semaphore, #tpu.memory_space<semaphore_mem>>)
      %dma_wait3A = arith.constant 0 : i32
      %dma_wait3A_82 = tpu.memref_slice %arg5[%arg0, %add3A_69, %dma_wait3A] : memref<2x10240x128xf32, #tpu.memory_space<hbm>> -> memref<1x128x128xf32, #tpu.memory_space<hbm>>
      %dma_wait3A_83 = tpu.memref_squeeze %dma_wait3A_82 : memref<1x128x128xf32, #tpu.memory_space<hbm>> -> memref<128x128xf32, #tpu.memory_space<hbm>>
      %dma_wait3A_84 = arith.constant 0 : i32
      %dma_wait3A_85 = tpu.memref_slice %arg9[%add3A_67, %dma_wait3A_84] : memref<10240x128xf32, #tpu.memory_space<vmem_shared>> -> memref<128x128xf32, #tpu.memory_space<vmem_shared>>
      tpu.wait_dma2 semaphore(%run_scoped3A : memref<!tpu.dma_semaphore, #tpu.memory_space<semaphore_mem>>) src(%dma_wait3A_85 : memref<128x128xf32, #tpu.memory_space<vmem_shared>>) dst(%dma_wait3A_83 : memref<128x128xf32, #tpu.memory_space<hbm>>)
      tpu.yield
    }) : () -> ()
    %add3A_70 = arith.constant 384 : i32
    %add3A_71 = arith.addi %mul3A_35, %add3A_70 : i32
    %add3A_72 = arith.constant 384 : i32
    %add3A_73 = arith.addi %mul3A_35, %add3A_72 : i32
    "tpu.region"() ({
      %run_scoped3A = tpu.sem_alloc : memref<!tpu.dma_semaphore, #tpu.memory_space<semaphore_mem>>
      %dma_start3A = arith.constant 0 : i32
      %dma_start3A_78 = tpu.memref_slice %arg5[%arg0, %add3A_73, %dma_start3A] : memref<2x10240x128xf32, #tpu.memory_space<hbm>> -> memref<1x128x128xf32, #tpu.memory_space<hbm>>
      %dma_start3A_79 = tpu.memref_squeeze %dma_start3A_78 : memref<1x128x128xf32, #tpu.memory_space<hbm>> -> memref<128x128xf32, #tpu.memory_space<hbm>>
      %dma_start3A_80 = arith.constant 0 : i32
      %dma_start3A_81 = tpu.memref_slice %arg9[%add3A_71, %dma_start3A_80] : memref<10240x128xf32, #tpu.memory_space<vmem_shared>> -> memref<128x128xf32, #tpu.memory_space<vmem_shared>>
      tpu.enqueue_dma source(%dma_start3A_81 : memref<128x128xf32, #tpu.memory_space<vmem_shared>>) target(%dma_start3A_79 : memref<128x128xf32, #tpu.memory_space<hbm>>) target_semaphore(%run_scoped3A : memref<!tpu.dma_semaphore, #tpu.memory_space<semaphore_mem>>)
      %dma_wait3A = arith.constant 0 : i32
      %dma_wait3A_82 = tpu.memref_slice %arg5[%arg0, %add3A_73, %dma_wait3A] : memref<2x10240x128xf32, #tpu.memory_space<hbm>> -> memref<1x128x128xf32, #tpu.memory_space<hbm>>
      %dma_wait3A_83 = tpu.memref_squeeze %dma_wait3A_82 : memref<1x128x128xf32, #tpu.memory_space<hbm>> -> memref<128x128xf32, #tpu.memory_space<hbm>>
      %dma_wait3A_84 = arith.constant 0 : i32
      %dma_wait3A_85 = tpu.memref_slice %arg9[%add3A_71, %dma_wait3A_84] : memref<10240x128xf32, #tpu.memory_space<vmem_shared>> -> memref<128x128xf32, #tpu.memory_space<vmem_shared>>
      tpu.wait_dma2 semaphore(%run_scoped3A : memref<!tpu.dma_semaphore, #tpu.memory_space<semaphore_mem>>) src(%dma_wait3A_85 : memref<128x128xf32, #tpu.memory_space<vmem_shared>>) dst(%dma_wait3A_83 : memref<128x128xf32, #tpu.memory_space<hbm>>)
      tpu.yield
    }) : () -> ()
    %add3A_74 = arith.constant 512 : i32
    %add3A_75 = arith.addi %mul3A_35, %add3A_74 : i32
    %add3A_76 = arith.constant 512 : i32
    %add3A_77 = arith.addi %mul3A_35, %add3A_76 : i32
    "tpu.region"() ({
      %run_scoped3A = tpu.sem_alloc : memref<!tpu.dma_semaphore, #tpu.memory_space<semaphore_mem>>
      %dma_start3A = arith.constant 0 : i32
      %dma_start3A_78 = tpu.memref_slice %arg5[%arg0, %add3A_77, %dma_start3A] : memref<2x10240x128xf32, #tpu.memory_space<hbm>> -> memref<1x128x128xf32, #tpu.memory_space<hbm>>
      %dma_start3A_79 = tpu.memref_squeeze %dma_start3A_78 : memref<1x128x128xf32, #tpu.memory_space<hbm>> -> memref<128x128xf32, #tpu.memory_space<hbm>>
      %dma_start3A_80 = arith.constant 0 : i32
      %dma_start3A_81 = tpu.memref_slice %arg9[%add3A_75, %dma_start3A_80] : memref<10240x128xf32, #tpu.memory_space<vmem_shared>> -> memref<128x128xf32, #tpu.memory_space<vmem_shared>>
      tpu.enqueue_dma source(%dma_start3A_81 : memref<128x128xf32, #tpu.memory_space<vmem_shared>>) target(%dma_start3A_79 : memref<128x128xf32, #tpu.memory_space<hbm>>) target_semaphore(%run_scoped3A : memref<!tpu.dma_semaphore, #tpu.memory_space<semaphore_mem>>)
      %dma_wait3A = arith.constant 0 : i32
      %dma_wait3A_82 = tpu.memref_slice %arg5[%arg0, %add3A_77, %dma_wait3A] : memref<2x10240x128xf32, #tpu.memory_space<hbm>> -> memref<1x128x128xf32, #tpu.memory_space<hbm>>
      %dma_wait3A_83 = tpu.memref_squeeze %dma_wait3A_82 : memref<1x128x128xf32, #tpu.memory_space<hbm>> -> memref<128x128xf32, #tpu.memory_space<hbm>>
      %dma_wait3A_84 = arith.constant 0 : i32
      %dma_wait3A_85 = tpu.memref_slice %arg9[%add3A_75, %dma_wait3A_84] : memref<10240x128xf32, #tpu.memory_space<vmem_shared>> -> memref<128x128xf32, #tpu.memory_space<vmem_shared>>
      tpu.wait_dma2 semaphore(%run_scoped3A : memref<!tpu.dma_semaphore, #tpu.memory_space<semaphore_mem>>) src(%dma_wait3A_85 : memref<128x128xf32, #tpu.memory_space<vmem_shared>>) dst(%dma_wait3A_83 : memref<128x128xf32, #tpu.memory_space<hbm>>)
      tpu.yield
    }) : () -> ()
    return
  }
}

module attributes {stable_mosaic.version = 14 : i64} {
  func.func @_tc1_body(%arg0: i32, %arg1: memref<1000x128xf32, #tpu.memory_space<vmem>>, %arg2: memref<128x128xf32, #tpu.memory_space<vmem>>, %arg3: memref<2x1000x16xf32, #tpu.memory_space<vmem>>, %arg4: memref<1000x128xf32, #tpu.memory_space<vmem>>) attributes {dimension_semantics = [#tpu.dimension_semantics<arbitrary>], iteration_bounds = array<i64: 10>, scalar_prefetch = 0 : i64, scratch_operands = 0 : i64, tpu.core_type = #tpu.core_type<tc>, window_params = [{transform_indices = @transform_0, window_bounds = array<i64: 1000, 128>}, {pipeline_mode = #tpu.pipeline_mode<synchronous>, transform_indices = @transform_1, window_bounds = array<i64: 128, 128>}, {transform_indices = @transform_2, window_bounds = array<i64: 2, 1000, 16>}, {transform_indices = @transform_3, window_bounds = array<i64: 1000, 128>}]} {
    %get3A = arith.constant 0 : index
    %get3A_0 = arith.constant 0 : index
    %get3A_1 = vector.load %arg1[%get3A, %get3A_0] : memref<1000x128xf32, #tpu.memory_space<vmem>>, vector<1000x128xf32>
    %get3A_2 = arith.constant 0 : index
    %get3A_3 = arith.constant 0 : index
    %get3A_4 = vector.load %arg2[%get3A_2, %get3A_3] : memref<128x128xf32, #tpu.memory_space<vmem>>, vector<128x128xf32>
    %dot_general3A = arith.constant dense<0.000000e+00> : vector<1000x128xf32>
    %dot_general3A_5 = tpu.matmul %get3A_1, %get3A_4, %dot_general3A {dimension_numbers = #tpu.dot_dimension_numbers<[1], [0], [0], [1], [0, 0, 1, 1], [], []>, transpose_lhs_hint = false} : vector<1000x128xf32>, vector<128x128xf32>, vector<1000x128xf32> -> vector<1000x128xf32>
    %get3A_6 = arith.constant 0 : index
    %get3A_7 = arith.constant 0 : index
    %get3A_8 = arith.constant 0 : index
    %get3A_9 = vector.load %arg3[%get3A_6, %get3A_7, %get3A_8] : memref<2x1000x16xf32, #tpu.memory_space<vmem>>, vector<1x1000x1xf32>
    %get3A_10 = vector.shape_cast %get3A_9 : vector<1x1000x1xf32> to vector<1000x1xf32>
    %get3A_11 = arith.constant 1 : index
    %get3A_12 = arith.constant 0 : index
    %get3A_13 = arith.constant 0 : index
    %get3A_14 = vector.load %arg3[%get3A_11, %get3A_12, %get3A_13] : memref<2x1000x16xf32, #tpu.memory_space<vmem>>, vector<1x1000x1xf32>
    %get3A_15 = vector.shape_cast %get3A_14 : vector<1x1000x1xf32> to vector<1000x1xf32>
    %add3A = arith.addf %get3A_10, %get3A_15 : vector<1000x1xf32>
    %add3A_16 = arith.constant 1.000000e+00 : f32
    %add3A_17 = vector.broadcast %add3A_16 : f32 to vector<1000x1xf32>
    %add3A_18 = arith.addf %add3A, %add3A_17 : vector<1000x1xf32>
    %rsqrt3A = math.rsqrt %add3A_18 : vector<1000x1xf32>
    %mul3A = vector.broadcast %rsqrt3A : vector<1000x1xf32> to vector<1000x128xf32>
    %mul3A_19 = arith.mulf %dot_general3A_5, %mul3A : vector<1000x128xf32>
    %swap3A = arith.constant 0 : index
    %swap3A_20 = arith.constant 0 : index
    %swap3A_21 = vector.load %arg4[%swap3A, %swap3A_20] : memref<1000x128xf32, #tpu.memory_space<vmem>>, vector<1000x128xf32>
    tpu.vector_store %arg4[%swap3A, %swap3A_20], %mul3A_19 {strides = array<i32>} : memref<1000x128xf32, #tpu.memory_space<vmem>>, vector<1000x128xf32>,
    return
  }
  func.func @transform_0(%arg0: i32) -> (i32, i32) {
    %c0_i32 = arith.constant 0 : i32
    %c0_i32_0 = arith.constant 0 : i32
    return %arg0, %c0_i32 : i32, i32
  }
  func.func @transform_1(%arg0: i32) -> (i32, i32) {
    %c0_i32 = arith.constant 0 : i32
    %c0_i32_0 = arith.constant 0 : i32
    %c0_i32_1 = arith.constant 0 : i32
    return %c0_i32, %c0_i32_0 : i32, i32
  }
  func.func @transform_2(%arg0: i32) -> (i32, i32, i32) {
    %c0_i32 = arith.constant 0 : i32
    %c0_i32_0 = arith.constant 0 : i32
    %c0_i32_1 = arith.constant 0 : i32
    return %c0_i32, %arg0, %c0_i32_0 : i32, i32, i32
  }
  func.func @transform_3(%arg0: i32) -> (i32, i32) {
    %c0_i32 = arith.constant 0 : i32
    %c0_i32_0 = arith.constant 0 : i32
    return %arg0, %c0_i32 : i32, i32
  }
}

module attributes {stable_mosaic.version = 14 : i64} {
  func.func @_tc2_body(%arg0: i32, %arg1: memref<2x1000x128xf32, #tpu.memory_space<vmem>>, %arg2: memref<1000x128xf32, #tpu.memory_space<vmem>>, %arg3: memref<2x1000x16xf32, #tpu.memory_space<vmem>>, %arg4: memref<128x128xf32, #tpu.memory_space<vmem>>, %arg5: memref<1x128xf32, #tpu.memory_space<vmem>>, %arg6: memref<1000x128xf32, #tpu.memory_space<vmem>>) attributes {dimension_semantics = [#tpu.dimension_semantics<arbitrary>], iteration_bounds = array<i64: 10>, scalar_prefetch = 0 : i64, scratch_operands = 0 : i64, tpu.core_type = #tpu.core_type<tc>, window_params = [{transform_indices = @transform_0, window_bounds = array<i64: 2, 1000, 128>}, {transform_indices = @transform_1, window_bounds = array<i64: 1000, 128>}, {transform_indices = @transform_2, window_bounds = array<i64: 2, 1000, 16>}, {pipeline_mode = #tpu.pipeline_mode<synchronous>, transform_indices = @transform_3, window_bounds = array<i64: 128, 128>}, {pipeline_mode = #tpu.pipeline_mode<synchronous>, transform_indices = @transform_4, window_bounds = array<i64: 1, 128>}, {transform_indices = @transform_5, window_bounds = array<i64: 1000, 128>}]} {
    %get3A = arith.constant 0 : index
    %get3A_0 = arith.constant 0 : index
    %get3A_1 = arith.constant 0 : index
    %get3A_2 = vector.load %arg3[%get3A, %get3A_0, %get3A_1] : memref<2x1000x16xf32, #tpu.memory_space<vmem>>, vector<1x1000x1xf32>
    %get3A_3 = vector.shape_cast %get3A_2 : vector<1x1000x1xf32> to vector<1000x1xf32>
    %get3A_4 = arith.constant 1 : index
    %get3A_5 = arith.constant 0 : index
    %get3A_6 = arith.constant 0 : index
    %get3A_7 = vector.load %arg3[%get3A_4, %get3A_5, %get3A_6] : memref<2x1000x16xf32, #tpu.memory_space<vmem>>, vector<1x1000x1xf32>
    %get3A_8 = vector.shape_cast %get3A_7 : vector<1x1000x1xf32> to vector<1000x1xf32>
    %add3A = arith.addf %get3A_3, %get3A_8 : vector<1000x1xf32>
    %add3A_9 = arith.constant 1.000000e+00 : f32
    %add3A_10 = vector.broadcast %add3A_9 : f32 to vector<1000x1xf32>
    %add3A_11 = arith.addf %add3A, %add3A_10 : vector<1000x1xf32>
    %rsqrt3A = math.rsqrt %add3A_11 : vector<1000x1xf32>
    %get3A_12 = arith.constant 0 : index
    %get3A_13 = arith.constant 0 : index
    %get3A_14 = arith.constant 0 : index
    %get3A_15 = vector.load %arg1[%get3A_12, %get3A_13, %get3A_14] : memref<2x1000x128xf32, #tpu.memory_space<vmem>>, vector<1x1000x128xf32>
    %get3A_16 = vector.shape_cast %get3A_15 : vector<1x1000x128xf32> to vector<1000x128xf32>
    %get3A_17 = arith.constant 1 : index
    %get3A_18 = arith.constant 0 : index
    %get3A_19 = arith.constant 0 : index
    %get3A_20 = vector.load %arg1[%get3A_17, %get3A_18, %get3A_19] : memref<2x1000x128xf32, #tpu.memory_space<vmem>>, vector<1x1000x128xf32>
    %get3A_21 = vector.shape_cast %get3A_20 : vector<1x1000x128xf32> to vector<1000x128xf32>
    %add3A_22 = arith.addf %get3A_16, %get3A_21 : vector<1000x128xf32>
    %get3A_23 = arith.constant 0 : index
    %get3A_24 = arith.constant 0 : index
    %get3A_25 = vector.load %arg2[%get3A_23, %get3A_24] : memref<1000x128xf32, #tpu.memory_space<vmem>>, vector<1000x128xf32>
    %add3A_26 = arith.addf %add3A_22, %get3A_25 : vector<1000x128xf32>
    %mul3A = vector.broadcast %rsqrt3A : vector<1000x1xf32> to vector<1000x128xf32>
    %mul3A_27 = arith.mulf %add3A_26, %mul3A : vector<1000x128xf32>
    %get3A_28 = arith.constant 0 : index
    %get3A_29 = arith.constant 0 : index
    %get3A_30 = vector.load %arg5[%get3A_28, %get3A_29] : memref<1x128xf32, #tpu.memory_space<vmem>>, vector<1x128xf32>
    %add3A_31 = vector.broadcast %get3A_30 : vector<1x128xf32> to vector<1000x128xf32>
    %add3A_32 = arith.addf %mul3A_27, %add3A_31 : vector<1000x128xf32>
    %max3A = arith.constant 0.000000e+00 : f32
    %max3A_33 = vector.broadcast %max3A : f32 to vector<1000x128xf32>
    %max3A_34 = arith.maximumf %add3A_32, %max3A_33 : vector<1000x128xf32>
    %get3A_35 = arith.constant 0 : index
    %get3A_36 = arith.constant 0 : index
    %get3A_37 = vector.load %arg4[%get3A_35, %get3A_36] : memref<128x128xf32, #tpu.memory_space<vmem>>, vector<128x128xf32>
    %dot_general3A = arith.constant dense<0.000000e+00> : vector<1000x128xf32>
    %dot_general3A_38 = tpu.matmul %max3A_34, %get3A_37, %dot_general3A {dimension_numbers = #tpu.dot_dimension_numbers<[1], [0], [0], [1], [0, 0, 1, 1], [], []>, transpose_lhs_hint = false} : vector<1000x128xf32>, vector<128x128xf32>, vector<1000x128xf32> -> vector<1000x128xf32>
    %mul3A_39 = vector.broadcast %rsqrt3A : vector<1000x1xf32> to vector<1000x128xf32>
    %mul3A_40 = arith.mulf %dot_general3A_38, %mul3A_39 : vector<1000x128xf32>
    %swap3A = arith.constant 0 : index
    %swap3A_41 = arith.constant 0 : index
    %swap3A_42 = vector.load %arg6[%swap3A, %swap3A_41] : memref<1000x128xf32, #tpu.memory_space<vmem>>, vector<1000x128xf32>
    tpu.vector_store %arg6[%swap3A, %swap3A_41], %mul3A_40 {strides = array<i32>} : memref<1000x128xf32, #tpu.memory_space<vmem>>, vector<1000x128xf32>,
    return
  }
  func.func @transform_0(%arg0: i32) -> (i32, i32, i32) {
    %c0_i32 = arith.constant 0 : i32
    %c0_i32_0 = arith.constant 0 : i32
    %c0_i32_1 = arith.constant 0 : i32
    return %c0_i32, %arg0, %c0_i32_0 : i32, i32, i32
  }
  func.func @transform_1(%arg0: i32) -> (i32, i32) {
    %c0_i32 = arith.constant 0 : i32
    %c0_i32_0 = arith.constant 0 : i32
    return %arg0, %c0_i32 : i32, i32
  }
  func.func @transform_2(%arg0: i32) -> (i32, i32, i32) {
    %c0_i32 = arith.constant 0 : i32
    %c0_i32_0 = arith.constant 0 : i32
    %c0_i32_1 = arith.constant 0 : i32
    return %c0_i32, %arg0, %c0_i32_0 : i32, i32, i32
  }
  func.func @transform_3(%arg0: i32) -> (i32, i32) {
    %c0_i32 = arith.constant 0 : i32
    %c0_i32_0 = arith.constant 0 : i32
    %c0_i32_1 = arith.constant 0 : i32
    return %c0_i32, %c0_i32_0 : i32, i32
  }
  func.func @transform_4(%arg0: i32) -> (i32, i32) {
    %c0_i32 = arith.constant 0 : i32
    %c0_i32_0 = arith.constant 0 : i32
    %c0_i32_1 = arith.constant 0 : i32
    return %c0_i32, %c0_i32_0 : i32, i32
  }
  func.func @transform_5(%arg0: i32) -> (i32, i32) {
    %c0_i32 = arith.constant 0 : i32
    %c0_i32_0 = arith.constant 0 : i32
    return %arg0, %c0_i32 : i32, i32
  }
}

module attributes {stable_mosaic.version = 14 : i64} {
  func.func @_tc3_body(%arg0: i32, %arg1: memref<2x1000x128xf32, #tpu.memory_space<vmem>>, %arg2: memref<1000x128xf32, #tpu.memory_space<vmem>>, %arg3: memref<2x1000x16xf32, #tpu.memory_space<vmem>>, %arg4: memref<1x128xf32, #tpu.memory_space<vmem>>, %arg5: memref<1000x64xf32, #tpu.memory_space<vmem>>, %arg6: memref<1000x64xf32, #tpu.memory_space<vmem>>) attributes {dimension_semantics = [#tpu.dimension_semantics<arbitrary>], iteration_bounds = array<i64: 10>, scalar_prefetch = 0 : i64, scratch_operands = 0 : i64, tpu.core_type = #tpu.core_type<tc>, window_params = [{transform_indices = @transform_0, window_bounds = array<i64: 2, 1000, 128>}, {transform_indices = @transform_1, window_bounds = array<i64: 1000, 128>}, {transform_indices = @transform_2, window_bounds = array<i64: 2, 1000, 16>}, {pipeline_mode = #tpu.pipeline_mode<synchronous>, transform_indices = @transform_3, window_bounds = array<i64: 1, 128>}, {transform_indices = @transform_4, window_bounds = array<i64: 1000, 64>}, {transform_indices = @transform_5, window_bounds = array<i64: 1000, 64>}]} {
    %get3A = arith.constant 0 : index
    %get3A_0 = arith.constant 0 : index
    %get3A_1 = arith.constant 0 : index
    %get3A_2 = vector.load %arg3[%get3A, %get3A_0, %get3A_1] : memref<2x1000x16xf32, #tpu.memory_space<vmem>>, vector<1x1000x1xf32>
    %get3A_3 = vector.shape_cast %get3A_2 : vector<1x1000x1xf32> to vector<1000x1xf32>
    %get3A_4 = arith.constant 1 : index
    %get3A_5 = arith.constant 0 : index
    %get3A_6 = arith.constant 0 : index
    %get3A_7 = vector.load %arg3[%get3A_4, %get3A_5, %get3A_6] : memref<2x1000x16xf32, #tpu.memory_space<vmem>>, vector<1x1000x1xf32>
    %get3A_8 = vector.shape_cast %get3A_7 : vector<1x1000x1xf32> to vector<1000x1xf32>
    %add3A = arith.addf %get3A_3, %get3A_8 : vector<1000x1xf32>
    %add3A_9 = arith.constant 1.000000e+00 : f32
    %add3A_10 = vector.broadcast %add3A_9 : f32 to vector<1000x1xf32>
    %add3A_11 = arith.addf %add3A, %add3A_10 : vector<1000x1xf32>
    %rsqrt3A = math.rsqrt %add3A_11 : vector<1000x1xf32>
    %get3A_12 = arith.constant 0 : index
    %get3A_13 = arith.constant 0 : index
    %get3A_14 = arith.constant 0 : index
    %get3A_15 = vector.load %arg1[%get3A_12, %get3A_13, %get3A_14] : memref<2x1000x128xf32, #tpu.memory_space<vmem>>, vector<1x1000x128xf32>
    %get3A_16 = vector.shape_cast %get3A_15 : vector<1x1000x128xf32> to vector<1000x128xf32>
    %get3A_17 = arith.constant 1 : index
    %get3A_18 = arith.constant 0 : index
    %get3A_19 = arith.constant 0 : index
    %get3A_20 = vector.load %arg1[%get3A_17, %get3A_18, %get3A_19] : memref<2x1000x128xf32, #tpu.memory_space<vmem>>, vector<1x1000x128xf32>
    %get3A_21 = vector.shape_cast %get3A_20 : vector<1x1000x128xf32> to vector<1000x128xf32>
    %add3A_22 = arith.addf %get3A_16, %get3A_21 : vector<1000x128xf32>
    %get3A_23 = arith.constant 0 : index
    %get3A_24 = arith.constant 0 : index
    %get3A_25 = vector.load %arg2[%get3A_23, %get3A_24] : memref<1000x128xf32, #tpu.memory_space<vmem>>, vector<1000x128xf32>
    %add3A_26 = arith.addf %add3A_22, %get3A_25 : vector<1000x128xf32>
    %mul3A = vector.broadcast %rsqrt3A : vector<1000x1xf32> to vector<1000x128xf32>
    %mul3A_27 = arith.mulf %add3A_26, %mul3A : vector<1000x128xf32>
    %get3A_28 = arith.constant 0 : index
    %get3A_29 = arith.constant 0 : index
    %get3A_30 = vector.load %arg4[%get3A_28, %get3A_29] : memref<1x128xf32, #tpu.memory_space<vmem>>, vector<1x128xf32>
    %add3A_31 = vector.broadcast %get3A_30 : vector<1x128xf32> to vector<1000x128xf32>
    %add3A_32 = arith.addf %mul3A_27, %add3A_31 : vector<1000x128xf32>
    %slice3A = vector.extract_strided_slice %add3A_32 {offsets = [0, 0], sizes = [1000, 64], strides = [1, 1]} : vector<1000x128xf32> to vector<1000x64xf32>
    %swap3A = arith.constant 0 : index
    %swap3A_33 = arith.constant 0 : index
    %swap3A_34 = vector.load %arg5[%swap3A, %swap3A_33] : memref<1000x64xf32, #tpu.memory_space<vmem>>, vector<1000x64xf32>
    tpu.vector_store %arg5[%swap3A, %swap3A_33], %slice3A {strides = array<i32>} : memref<1000x64xf32, #tpu.memory_space<vmem>>, vector<1000x64xf32>,
    %slice3A_35 = vector.extract_strided_slice %add3A_32 {offsets = [0, 64], sizes = [1000, 64], strides = [1, 1]} : vector<1000x128xf32> to vector<1000x64xf32>
    %swap3A_36 = arith.constant 0 : index
    %swap3A_37 = arith.constant 0 : index
    %swap3A_38 = vector.load %arg6[%swap3A_36, %swap3A_37] : memref<1000x64xf32, #tpu.memory_space<vmem>>, vector<1000x64xf32>
    tpu.vector_store %arg6[%swap3A_36, %swap3A_37], %slice3A_35 {strides = array<i32>} : memref<1000x64xf32, #tpu.memory_space<vmem>>, vector<1000x64xf32>,
    return
  }
  func.func @transform_0(%arg0: i32) -> (i32, i32, i32) {
    %c0_i32 = arith.constant 0 : i32
    %c0_i32_0 = arith.constant 0 : i32
    %c0_i32_1 = arith.constant 0 : i32
    return %c0_i32, %arg0, %c0_i32_0 : i32, i32, i32
  }
  func.func @transform_1(%arg0: i32) -> (i32, i32) {
    %c0_i32 = arith.constant 0 : i32
    %c0_i32_0 = arith.constant 0 : i32
    return %arg0, %c0_i32 : i32, i32
  }
  func.func @transform_2(%arg0: i32) -> (i32, i32, i32) {
    %c0_i32 = arith.constant 0 : i32
    %c0_i32_0 = arith.constant 0 : i32
    %c0_i32_1 = arith.constant 0 : i32
    return %c0_i32, %arg0, %c0_i32_0 : i32, i32, i32
  }
  func.func @transform_3(%arg0: i32) -> (i32, i32) {
    %c0_i32 = arith.constant 0 : i32
    %c0_i32_0 = arith.constant 0 : i32
    %c0_i32_1 = arith.constant 0 : i32
    return %c0_i32, %c0_i32_0 : i32, i32
  }
  func.func @transform_4(%arg0: i32) -> (i32, i32) {
    %c0_i32 = arith.constant 0 : i32
    %c0_i32_0 = arith.constant 0 : i32
    return %arg0, %c0_i32 : i32, i32
  }
  func.func @transform_5(%arg0: i32) -> (i32, i32) {
    %c0_i32 = arith.constant 0 : i32
    %c0_i32_0 = arith.constant 0 : i32
    return %arg0, %c0_i32 : i32, i32
  }
}

</mosaic_0001>

<sc_bundles>
// kernel: kernel.11.cloned.1.call-start
scs
__scs_entry_jumppad:
0x0: {  	(pc) =	sbr.rel $0x88, $3  }
0x1: {  	(tag) =	ssettag $0x0;
	lr =	simm.s32 $0x1  }
0x2: {  	[smem:$0x3F99] =	sst lr;
	_ =	strace $0xD0000000  }
0x3: {  	_ = 	snop  }
0x4: {  	_ = 	snop  }
0x5: {  	_ = 	snop  }
0x6: {  	_ = 	snop  }
0x7: {  	_ = 	snop  }
__scs_overlays_trampoline_lowered:
0x8: {  	[smem:$0x3FA8] =	sst s0  }
0x9: {  	[smem:$0x3FA9] =	sst s1  }
0xa: {  	[smem:$0x3FAA] =	sst s2  }
0xb: {  	[smem:$0x3FAB] =	sst s3  }
0xc: {  	[smem:$0x3FAC] =	sst s4  }
0xd: {  	[smem:$0x3FAD] =	sst s5  }
0xe: {  	[smem:$0x3FAE] =	sst s6  }
0xf: {  	[smem:$0x3FAF] =	sst s7  }
0x10: {  	[smem:$0x3FB0] =	sst s8  }
0x11: {  	[smem:$0x3FB1] =	sst s9;
	s0 =	simm.s32 @!p0 $0x0  }
0x12: {  	s1 =	sld [smem:$0x3F97];
	s0 =	simm.s32 @p0 $0x1  }
0x13: {  	[smem:$0x3FB2] =	sst s0;
	s0 =	simm.s32 @!p1 $0x0  }
0x14: {  	s2 =	sld [smem:$0x3F96];
	s0 =	simm.s32 @p1 $0x1  }
0x15: {  	[smem:$0x3FB3] =	sst s0;
	s0 =	simm.s32 @!p2 $0x0  }
0x16: {  	s3 =	sld [smem:$0x3FDB];
	s0 =	simm.s32 @p2 $0x1  }
0x17: {  	s4 =	simm.s32 $0x1BF5;
	[smem:$0x3FB5] =	sst s0  }
0x18: {  	s0 =	sld [smem:$0x3F98];
	_ =	swait.ge [sflag:s4], $0x0  }
0x19: {  	s7 =	sld [smem:$0x3F99]  }
0x1a: {  	s8 =	sadd.s32 $0xFFFFE003, lr  }
0x1b: {  	s9 =	sadd.s32 $0xFFFFFEF7, lr;
	s5 =	simm.s32 $0xFFFFFFFF;
	p2 =	slt.u32 s8, $0xFFFFF086  }
0x1c: {  	p1 =	slt.u32 s9, $0xF7A;
	s5 =	simm.s32 @!p2 $0x0  }
0x1d: {  	s5 =	simm.s32 @p1 $0x1;
	p0 =	seq.s32 s7, s2  }
0x1e: {  	s7 =	smul.u32 @!p0 $0xF7A, s2;
	p2 =	seq.s32 @!p0 s5, $0x0  }
0x1f: {  	s9 =	smul.u32 $0xF7A, s1;
	s8 =	simm.s32 @!p0 $0x1BF5;
	p2 =	por !p2, p0  }
0x20: {  	[sflag:s8] =	ssyncset.s32 @!p0 $0xFFFFF086;
	s6 =	sadd.s32 @!p0 s3, s7;
	s7 =	simm.s32 @!p0 $0x108  }
0x21: {  	s3 =	sadd.s32 s3, s9;
	s6 =	sadd.s32 @!p0 $0x88, s6;
	s7 =	simm.s32 @p2 $0x1082  }
0x22: {  	[simem:s7], [sflag:s8] =	dma.local @!p0 [hbm:s6], $0xF7A  }
0x23: {  	s9 =	sor.u32 $0xD0000000, s2;
	s6 =	simm.s32 $0x108;
	_ =	swait.ge @!p0 [sflag:s8], $0x0  }
0x24: {  	s3 =	sadd.s32 $0x88, s3;
	s6 =	simm.s32 @!p1 $0x1082;
	[sflag:s4] =	ssyncset.s32 $0xFFFFF086  }
0x25: {  	[simem:s6], [sflag:s4] =	dma.local [hbm:s3], $0xF7A  }
0x26: {  	[smem:$0x3F99] =	sst s1;
	(tag) =	ssettag s2;
	_ =	strace s9  }
0x27: {  	s1 =	sld [smem:$0x3FA9]  }
0x28: {  	s2 =	sld [smem:$0x3FAA]  }
0x29: {  	s4 =	sld [smem:$0x3FAC]  }
0x2a: {  	p0 =	seq.s32 s5, $0x0;
	s5 =	sld [smem:$0x3FAD]  }
0x2b: {  	s6 =	sld [smem:$0x3FAE]  }
0x2c: {  	s7 =	sld [smem:$0x3FAF]  }
0x2d: {  	s3 =	simm.s32 $0x108;
	s8 =	sld [smem:$0x3FB0]  }
0x2e: {  	s3 =	simm.s32 @!p0 $0x1082;
	s9 =	sld [smem:$0x3FB1]  }
0x2f: {  	lr =	sadd.s32 s0, s3;
	s0 =	sld [smem:$0x3FA8]  }
0x30: {  	s3 =	sld [smem:$0x3FAB]  }
0x31: {  	[smem:$0x3FB4] =	sst s10  }
0x32: {  	s10 =	sld [smem:$0x3FB2];
	_ =	sdelay $0x3  }
0x33: {  	p0 =	seq.s32 s10, $0x1;
	s10 =	sld [smem:$0x3FB4];
	_ =	sdelay $0x3  }
0x34: {  	[smem:$0x3FB4] =	sst s10  }
0x35: {  	s10 =	sld [smem:$0x3FB3];
	_ =	sdelay $0x3  }
0x36: {  	p1 =	seq.s32 s10, $0x1;
	s10 =	sld [smem:$0x3FB4];
	_ =	sdelay $0x3  }
0x37: {  	[smem:$0x3FB4] =	sst s10  }
0x38: {  	s10 =	sld [smem:$0x3FB5]  }
0x39: {  	_ = 	snop;
	(pc) =	sbr.ind lr, $3  }
0x3a: {  	_ = 	snop  }
0x3b: {  	_ = 	snop  }
0x3c: {  	p2 =	seq.s32 s10, $0x1;
	s10 =	sld [smem:$0x3FB4]  }
0x3d: {  	_ =	shalt  }
0x3e: {  	_ =	shalt  }
0x3f: {  	_ =	shalt  }
0x40: {  	_ =	shalt  }
0x41: {  	_ =	shalt  }
0x42: {  	_ =	shalt  }
0x43: {  	_ =	shalt  }
0x44: {  	_ =	shalt  }
0x45: {  	_ =	shalt  }
0x46: {  	_ =	shalt  }
0x47: {  	_ =	shalt  }
0x48: {  	_ =	shalt  }
0x49: {  	_ =	shalt  }
0x4a: {  	_ =	shalt  }
0x4b: {  	_ =	shalt  }
0x4c: {  	_ =	shalt  }
0x4d: {  	_ =	shalt  }
0x4e: {  	_ =	shalt  }
0x4f: {  	_ =	shalt  }
0x50: {  	_ =	shalt  }
0x51: {  	_ =	shalt  }
0x52: {  	_ =	shalt  }
0x53: {  	_ =	shalt  }
0x54: {  	_ =	shalt  }
0x55: {  	_ =	shalt  }
0x56: {  	_ =	shalt  }
0x57: {  	_ =	shalt  }
0x58: {  	_ =	shalt  }
0x59: {  	_ =	shalt  }
0x5a: {  	_ =	shalt  }
0x5b: {  	_ =	shalt  }
0x5c: {  	_ =	shalt  }
0x5d: {  	_ =	shalt  }
0x5e: {  	_ =	shalt  }
0x5f: {  	_ =	shalt  }
0x60: {  	_ =	shalt  }
0x61: {  	_ =	shalt  }
0x62: {  	_ =	shalt  }
0x63: {  	_ =	shalt  }
0x64: {  	_ =	shalt  }
0x65: {  	_ =	shalt  }
0x66: {  	_ =	shalt  }
0x67: {  	_ =	shalt  }
0x68: {  	_ =	shalt  }
0x69: {  	_ =	shalt  }
0x6a: {  	_ =	shalt  }
0x6b: {  	_ =	shalt  }
0x6c: {  	_ =	shalt  }
0x6d: {  	_ =	shalt  }
0x6e: {  	_ =	shalt  }
0x6f: {  	_ =	shalt  }
0x70: {  	_ =	shalt  }
0x71: {  	_ =	shalt  }
0x72: {  	_ =	shalt  }
0x73: {  	_ =	shalt  }
0x74: {  	_ =	shalt  }
0x75: {  	_ =	shalt  }
0x76: {  	_ =	shalt  }
0x77: {  	_ =	shalt  }
0x78: {  	_ =	shalt  }
0x79: {  	_ =	shalt  }
0x7a: {  	_ =	shalt  }
0x7b: {  	_ =	shalt  }
0x7c: {  	_ =	shalt  }
0x7d: {  	_ =	shalt  }
0x7e: {  	_ =	shalt  }
0x7f: {  	_ =	shalt  }
0x80: {  	_ =	shalt  }
0x81: {  	_ =	shalt  }
0x82: {  	_ =	shalt  }
0x83: {  	_ =	shalt  }
0x84: {  	_ =	shalt  }
0x85: {  	_ =	shalt  }
0x86: {  	_ =	shalt  }
0x87: {  	_ =	shalt  }
.Lfunc_end0:
.L_simem_size_0:
called_computation.1_lowered:
.L_overlay_start_0:
0x88: {  	s2 =	sld [smem:$0x3FD9]  }
0x89: {  	s3 =	sld [smem:$0x3FFE];
	_ =	sdelay $0x1  }
0x8a: {  	s1 =	srdreg.scid  }
0x8b: {  	s0 =	sand.u32 $0x1, s1  }
0x8c: {  	s14 =	sshll.u32 s0, $0xA;
	s2 =	sadd.s32 s3, s2  }
0x8d: {  	s2 =	sadd.s32 s2, s14  }
0x8e: {  	[smem:$0x3FC0] =	sst s2  }
0x8f: {  	_ = 	snop  }
0x90: {  	s2 =	sld [smem:$0x3FD0];
	_ =	sdelay $0x2  }
0x91: {  	s15 =	simm.s32 $0xA;
	s4 =	simm.s32 $0x10  }
0x92: {  	[smem:s4], [sflag:s15] =	dma.local [hbm:s2], $0x1  }
0x93: {  	_ =	swait.eq [sflag:s15], $0x1  }
0x94: {  	[sflag:s15] =	ssyncset.done $0x0  }
0x95: {  	s16 =	sld [smem:$0x10];
	[sflag:s15] =	ssyncadd.s32 $0xFFFFFFFF  }
0x96: {  	s17 =	sld [smem:$0x11];
	(tm) =	ssettm $0x1  }
0x97: {  	s18 =	sld [smem:$0x3FFB];
	_ =	sdelay $0x3  }
0x98: {  	_ =	strace s18  }
0x99: {  	s4 =	sld [smem:$0x3FFC];
	_ =	sdelay $0x3  }
0x9a: {  	_ =	strace s4  }
0x9b: {  	s4 =	sld [smem:$0x3FFD];
	_ =	sdelay $0x3  }
0x9c: {  	_ =	strace s4  }
0x9d: {  	_ =	strace $0x8FFFFFFF  }
0x9e: {  	s19 =	sld [smem:$0x3FDB];
	_ =	sdelay $0x1  }
0x9f: {  	s5 =	simm.s32 $_scs_section_size  }
0xa0: {  	s6 =	simm.s32 $_size__tile_overlayer_lowered;
	s7 =	simm.s32 $_tile_overlayer_lowered  }
0xa1: {  	s22 =	simm.s32 $0x1BFF;
	s21 =	sshll.u32 s7, $0x1;
	s4 =	sadd.s32 s5, s19  }
0xa2: {  	s8 =	simm.s32 $0x0;
	s20 =	sshll.u32 s6, $0x1;
	s6 =	sadd.s32 s21, s4  }
0xa3: {  	[timem:s8], [sflag:s22] =	dma.local [hbm:s6], s20  }
0xa4: {  	_ =	swait.ge [sflag:s22], s20  }
0xa5: {  	s5 =	ssub.s32 $0x0, s20;
	[sflag:s22] =	ssyncset.done $0x0  }
0xa6: {  	[sflag:s22] =	ssyncadd.s32 s5;
	_ =	sdelay $0x1  }
0xa7: {  	s23 =	simm.s32 $0x1B8B  }
0xa8: {  	_ =	swait.ge [sflag:s23], $0x1  }
0xa9: {  	[sflag:s23] =	ssyncset.done $0x0  }
0xaa: {  	s25 =	simm.s32 $0x1B8E;
	s24 =	sld [smem:$0x3FFE];
	[sflag:s23] =	ssyncadd.s32 $0xFFFFFFFF  }
0xab: {  	s26 =	simm.s32 $execute0_lowered;
	[smem:$0x3FD2] =	sst s25  }
0xac: {  	s6 =	sshll.u32 s26, $0x1;
	_ =	strace $0x80000049;
	[dreg:$0x1] =	wrdreg $0xFFFFFFFF  }
0xad: {  	s28 =	simm.s32 $_size_execute0_lowered;
	s4 =	sadd.s32 s4, s6;
	[dreg:$0x0] =	wrdreg $0x0  }
0xae: {  	s6 =	sshll.u32 s28, $0x1;
	[dreg:$0x2] =	wrdreg s4  }
0xaf: {  	[dreg:$0x3] =	wrdreg s6  }
0xb0: {  	[dreg:$0x4] =	wrdreg $0xC0  }
0xb1: {  	_ =	task [dreg:s8], $0x5FFFF  }
0xb2: {  	[dreg:$0x1] =	wrdreg $0xFFFFFFFF  }
0xb3: {  	[dreg:$0x0] =	wrdreg $0x60  }
0xb4: {  	[dreg:$0x2] =	wrdreg s24  }
0xb5: {  	[dreg:$0x3] =	wrdreg s17  }
0xb6: {  	[dreg:$0x4] =	wrdreg s16  }
0xb7: {  	[dreg:$0x5] =	wrdreg $0x98000  }
0xb8: {  	[dreg:$0x6] =	wrdreg $0x9  }
0xb9: {  	_ =	task.clear_ibuf [dreg:s8], $0x7FFFF;
	_ =	strace $0x90000049  }
0xba: {  	s29 =	simm.s32 $0x9;
	_ =	strace $0x8000004B  }
0xbb: {  	_ =	swait.ge [sflag:s29], $0x1  }
0xbc: {  	[sflag:s29] =	ssyncadd.s32 $0xFFFFFFFF  }
0xbd: {  	_ =	strace $0x9000004B  }
0xbe: {  	_ =	sfence  }
0xbf: {  	s30 =	sld [smem:$0x0];
	_ =	sdelay $0x2  }
0xc0: {  	s31 =	sshll.u32 s1, $0xD;
	s1 =	sshrl.u32 s1, $0x2  }
0xc1: {  	s3 =	sand.u32 $0x4000, s31;
	s1 =	sadd.s32 s1, s30  }
0xc2: {  	s0 =	sor.u32 s3, s0;
	s1 =	sshll.u32 s1, $0x11  }
0xc3: {  	s0 =	sor.u32 s1, s0  }
0xc4: {  	s0 =	sadd.s32 $0x8F2B, s0  }
0xc5: {  	[sflag:s0] =	ssyncadd.remote.s32 $0x1  }
0xc6: {  	_ =	sfence.sel $0xFFFF  }
0xc7: {  	[dreg:$0x0] =	wrdreg $0xFFFFFFFF;
	(pc) =	sbr.abs _section_cstart, $3  }
0xc8: {  	[dreg:$0x1] =	wrdreg $0xFFFFFFFF  }
0xc9: {  	_ =	task.clear_ibuf [dreg:s8], $0x2FFFF;
	_ =	strace $0x9FFFFFFF  }
0xca: {  	(tm) =	ssettm $0x7FFFFFFF  }
0xcb: {  	_ =	shalt  }
tec
execute0_lowered:
.L_overlay_start_1:
0x0: {  	(tag) =	ssettag $0x1  }
0x1: {  	s5 =	rddreg [dreg:$0x0]  }
0x2: {  	s11 =	rddreg [dreg:$0x1]  }
0x3: {  	s12 =	rddreg [dreg:$0x2]  }
0x4: {  	s2 =	rddreg [dreg:$0x3]  }
0x5: {  	s0 =	rddreg [dreg:$0x4];
	s3 =	simm.s32 $0x0;
	s4 =	srdreg.scid  }
0x6: {  	s1 =	stileid.u32;
	[smem:$0x7FF] =	sst s3;
	s15 =	sand.u32 $0x1, s4  }
0x7: {  	s23 =	sshll.u32 s1, $0x1;
	s4 =	sadd.s32 $0x52E00, s5;
	s18 =	sadd.s32 $0x7A000, s5  }
0x8: {  	s10 =	smul.u32 $0x50000, s1;
	p0 =	slt.u32 s1, $0x2;
	s5 =	simm.s32 $0x4F  }
0x9: {  	s13 =	smul.u32 $0x14000, s1;
	s28 =	sshll.u32 s1, $0x2;
	_ =	strace $0x8000004A  }
0xa: {  	s6 =	sor.u32 s15, s23;
	s7 =	ssub.s32 $0x2, s15;
	s22 =	smul.u32 $0x140000, s15  }
0xb: {  	s5 =	simm.s32 @!p0 $0x4E;
	s15 =	sshll.u32 s15, $0x1;
	s8 =	smul.u32 $0x4E, s6  }
0xc: {  	s9 =	sshrl.u32 s7, $0x1;
	s16 =	smin.u32 s6, $0x4;
	s24 =	sshrl.u32 s10, $0x2  }
0xd: {  	s17 =	sadd.s32 $0x4000, s13;
	s20 =	sadd.s32 $0x8000, s13;
	s21 =	sadd.s32 $0xC000, s13  }
0xe: {  	s23 =	sadd.s32 $0x10000, s13;
	s19 =	ssub.s32 s7, s9;
	s6 =	sadd.s32 s24, s2  }
0xf: {  	s7 =	sadd.s32 s17, s2;
	s9 =	sadd.s32 s21, s2;
	s10 =	sadd.s32 s23, s2  }
0x10: {  	s13 =	sadd.s32 s13, s22;
	s17 =	sadd.s32 s22, s17;
	s26 =	sadd.s32 s22, s20  }
0x11: {  	s29 =	sadd.s32 s22, s21;
	s30 =	sadd.s32 s22, s23;
	s21 =	simm.s32 $0x5800  }
0x12: {  	s22 =	simm.s32 $0x2;
	s23 =	simm.s32 $0x2C00;
	s24 =	simm.s32 $0x80  }
0x13: {  	s14 =	sadd.s32 s16, s8;
	s8 =	sadd.s32 s20, s2;
	s13 =	sshrl.u32 s13, $0x3  }
0x14: {  	s25 =	sshrl.u32 s17, $0x3;
	s17 =	sshrl.u32 s26, $0x3;
	s16 =	ssub.s32 s16, s15  }
0x15: {  	s20 =	sshrl.u32 s30, $0x3;
	s19 =	smax.u32 s19, $0x1;
	s26 =	simm.s32 $0x0  }
0x16: {  	s14 =	sshll.u32 s14, $0x4;
	s13 =	sadd.s32 s18, s13;
	s15 =	sadd.s32 s18, s17  }
0x17: {  	s16 =	sadd.s32 s16, s28;
	s17 =	sshrl.u32 s29, $0x3;
	s14 =	sand.u32 $0x1FF80, s14  }
0x18: {  	s31 =	sand.u32 $0x7, s16;
	s16 =	sadd.s32 s18, s17;
	s11 =	sadd.s32 s11, s14  }
0x19: {  	s12 =	sadd.s32 s12, s14;
	s14 =	sadd.s32 s18, s25;
	s17 =	sshll.u32 s31, $0x7  }
0x1a: {  	v0 =	vimm.f32 $0.0e+00;
	s18 =	sadd.s32 s18, s20;
	s25 =	simm.s32 $0x1;
	s20 =	sor.u32 $0x2C00, s17  }
.LBB2_1:
0x1b: {  	s28 =	simm.s32 $0x0;
	s29 =	simm.s32 $0x200  }
.LBB2_2:
0x1c: {  	p0 =	sne.s32 s29, $0xFE00;
	[tilespmem:s28+$0x5870] =	vst v0  }
0x1d: {  	[tilespmem:s28+$0x5800] =	vst v0  }
0x1e: {  	[tilespmem:s28+$0x5810] =	vst v0  }
.Ltmp0:
0x1f: {  	[tilespmem:s28+$0x5820] =	vst v0;
	(pc) =	sbr.rel @p0 .LBB2_2-.Ltmp0, $4  }
0x20: {  	[tilespmem:s28+$0x5830] =	vst v0  }
0x21: {  	[tilespmem:s28+$0x5840] =	vst v0  }
0x22: {  	[tilespmem:s28+$0x5850] =	vst v0  }
0x23: {  	[tilespmem:s28+$0x5860] =	vst v0;
	s28 =	sshra.s32 s29, $0x2;
	s29 =	sadd.s32 $0x200, s29  }
0x24: {  	[tilespmem:s28+$0x5870] =	vst v0  }
0x25: {  	[tilespmem:s28+$0x5800] =	vst v0  }
0x26: {  	[tilespmem:s28+$0x5810] =	vst v0  }
0x27: {  	[tilespmem:s28+$0x5820] =	vst v0  }
0x28: {  	[tilespmem:s28+$0x5830] =	vst v0  }
0x29: {  	[tilespmem:s28+$0x5840] =	vst v0  }
0x2a: {  	[tilespmem:s28+$0x5850] =	vst v0  }
0x2b: {  	[tilespmem:s28+$0x5860] =	vst v0  }
0x2c: {  	[spmem:s6] =	stream.linear.scatter [tilespmem:s21], [sflag:$0x2], $0x4000, $0x38;
	[tilespmem:$0x1D800] =	vst v63  }
0x2d: {  	_ =	swait.ge [sflag:s22], $0x4000  }
0x2e: {  	[sflag:s22] =	ssyncset.done $0x0  }
0x2f: {  	[sflag:s22] =	ssyncadd.s32 $0xFFFFC000  }
0x30: {  	[spmem:s7] =	stream.linear.scatter [tilespmem:s21], [sflag:$0x2], $0x4000, $0x38;
	[tilespmem:$0x1D800] =	vst v63  }
0x31: {  	_ =	swait.ge [sflag:s22], $0x4000  }
0x32: {  	[sflag:s22] =	ssyncset.done $0x0  }
0x33: {  	[sflag:s22] =	ssyncadd.s32 $0xFFFFC000  }
0x34: {  	[spmem:s8] =	stream.linear.scatter [tilespmem:s21], [sflag:$0x2], $0x4000, $0x38;
	[tilespmem:$0x1D800] =	vst v63  }
0x35: {  	_ =	swait.ge [sflag:s22], $0x4000  }
0x36: {  	[sflag:s22] =	ssyncset.done $0x0  }
0x37: {  	[sflag:s22] =	ssyncadd.s32 $0xFFFFC000  }
0x38: {  	[spmem:s9] =	stream.linear.scatter [tilespmem:s21], [sflag:$0x2], $0x4000, $0x38;
	[tilespmem:$0x1D800] =	vst v63  }
0x39: {  	_ =	swait.ge [sflag:s22], $0x4000  }
0x3a: {  	[sflag:s22] =	ssyncset.done $0x0  }
0x3b: {  	[sflag:s22] =	ssyncadd.s32 $0xFFFFC000  }
0x3c: {  	[spmem:s10] =	stream.linear.scatter [tilespmem:s21], [sflag:$0x2], $0x4000, $0x38;
	[tilespmem:$0x1D800] =	vst v63  }
0x3d: {  	_ =	swait.ge [sflag:s22], $0x4000  }
0x3e: {  	[sflag:s22] =	ssyncset.done $0x0  }
0x3f: {  	[sflag:s22] =	ssyncadd.s32 $0xFFFFC000  }
0x40: {  	[bflag:$0x0] =	sbarrier.arrive $0xFFFF  }
0x41: {  	[tilespmem:s3], [sflag:$0x2] =	stream.linear.gather [hbm4b:s11+s3], $0x2C00, $0x38;
	[tilespmem:$0x1D800] =	vst v63  }
0x42: {  	_ =	swait.ge [sflag:s22], $0x2C00  }
0x43: {  	[sflag:s22] =	ssyncset.done $0x0  }
0x44: {  	[sflag:s22] =	ssyncadd.s32 $0xFFFFD400  }
0x45: {  	[tilespmem:s23], [sflag:$0x2] =	stream.linear.gather [hbm4b:s12+s3], $0x2C00, $0x38;
	[tilespmem:$0x1D800] =	vst v63  }
0x46: {  	_ =	swait.ge [sflag:s22], $0x2C00  }
0x47: {  	[sflag:s22] =	ssyncset.done $0x0  }
0x48: {  	[sflag:s22] =	ssyncadd.s32 $0xFFFFD400  }
0x49: {  	[tilespmem:s21], [sflag:$0x1] =	stream.indirect.gather [hbm4b:s4+s24], $0x80, s17, s24, $0xb8;
	[tilespmem:$0x1D800] =	vst v63  }
0x4a: {  	p0 =	sne.s32 s5, $0x1;
	_ =	swait.ge [sflag:s25], $0x4000  }
.Ltmp1:
0x4b: {  	[sflag:s25] =	ssyncset.done $0x0;
	(pc) =	sbr.rel @!p0 .LBB2_5-.Ltmp1, $4  }
0x4c: {  	[sflag:s25] =	ssyncadd.s32 $0xFFFFC000  }
0x4d: {  	[spmem:s2] =	stream.indirect.scatter.add.f32 [tilespmem:s21], [sflag:$0x2], $0x80, s20, s24, $0xb8;
	[tilespmem:$0x1D800] =	vst v63  }
0x4e: {  	s28 =	sadd.s32 $0xFFFFFFFF, s5;
	_ =	swait.ge [sflag:s22], $0x4000  }
0x4f: {  	s29 =	smov.u32 s17;
	s30 =	smov.u32 s20;
	[sflag:s22] =	ssyncset.done $0x0  }
.LBB2_4:
0x50: {  	[sflag:s22] =	ssyncadd.s32 $0xFFFFC000;
	s29 =	sadd.s32 $0x80, s29;
	s30 =	sadd.s32 $0x80, s30  }
0x51: {  	[tilespmem:s21], [sflag:$0x1] =	stream.indirect.gather [hbm4b:s4+s24], $0x80, s29, s24, $0xb8;
	[tilespmem:$0x1D800] =	vst v63  }
0x52: {  	p0 =	sne.s32 s28, $0x1;
	s28 =	sadd.s32 $0xFFFFFFFF, s28;
	_ =	swait.ge [sflag:s25], $0x4000  }
.Ltmp2:
0x53: {  	[sflag:s25] =	ssyncset.done $0x0;
	(pc) =	sbr.rel @p0 .LBB2_4-.Ltmp2, $4  }
0x54: {  	[sflag:s25] =	ssyncadd.s32 $0xFFFFC000  }
0x55: {  	[spmem:s2] =	stream.indirect.scatter.add.f32 [tilespmem:s21], [sflag:$0x2], $0x80, s30, s24, $0xb8;
	[tilespmem:$0x1D800] =	vst v63  }
0x56: {  	_ =	swait.ge [sflag:s22], $0x4000  }
0x57: {  	[sflag:s22] =	ssyncset.done $0x0  }
.LBB2_5:
0x58: {  	[sflag:s22] =	ssyncadd.s32 $0xFFFFC000;
	s28 =	sshll.u32 s1, $0x6  }
0x59: {  	s29 =	sshrl.u32 s6, $0x3;
	[bflag:$0x0] =	sbarrier.arrive $0xFFFF;
	s28 =	sor.u32 $0x1C02, s28  }
0x5a: {  	[hbm:s13], [sflag:s28] =	dma.local [spmem:s29], $0x800  }
0x5b: {  	_ =	swait.ge [sflag:s22], $0x800  }
0x5c: {  	[sflag:s22] =	ssyncset.done $0x0  }
0x5d: {  	s30 =	sshrl.u32 s7, $0x3;
	[sflag:s22] =	ssyncadd.s32 $0xFFFFF800  }
0x5e: {  	[hbm:s14], [sflag:s28] =	dma.local [spmem:s30], $0x800  }
0x5f: {  	_ =	swait.ge [sflag:s22], $0x800  }
0x60: {  	[sflag:s22] =	ssyncset.done $0x0  }
0x61: {  	s31 =	sshrl.u32 s8, $0x3;
	[sflag:s22] =	ssyncadd.s32 $0xFFFFF800  }
0x62: {  	[hbm:s15], [sflag:s28] =	dma.local [spmem:s31], $0x800  }
0x63: {  	_ =	swait.ge [sflag:s22], $0x800  }
0x64: {  	[sflag:s22] =	ssyncset.done $0x0  }
0x65: {  	s30 =	sshrl.u32 s9, $0x3;
	[sflag:s22] =	ssyncadd.s32 $0xFFFFF800  }
0x66: {  	[hbm:s16], [sflag:s28] =	dma.local [spmem:s30], $0x800  }
0x67: {  	s26 =	sadd.s32 $0x1, s26;
	_ =	swait.ge [sflag:s22], $0x800  }
0x68: {  	p0 =	sne.s32 s26, s19;
	[sflag:s22] =	ssyncset.done $0x0  }
.Ltmp3:
0x69: {  	s31 =	sshrl.u32 s10, $0x3;
	[sflag:s22] =	ssyncadd.s32 $0xFFFFF800;
	(pc) =	sbr.rel @p0 .LBB2_1-.Ltmp3, $4  }
0x6a: {  	[hbm:s18], [sflag:s28] =	dma.local [spmem:s31], $0x800  }
0x6b: {  	_ =	swait.ge [sflag:s22], $0x800  }
0x6c: {  	[sflag:s22] =	ssyncset.done $0x0  }
0x6d: {  	[sflag:s22] =	ssyncadd.s32 $0xFFFFF800  }
0x6e: {  	_ =	sfence.sel $0x180000  }
0x6f: {  	[bflag:$0x0] =	sbarrier.arrive $0xFFFF  }
0x70: {  	p0 =	sne.s32 s1, $0x0;
	_ =	strace $0x9000004A  }
0x71: {  	s0 =	sadd.s32 @!p0 $0x100000, s0;
	[bflag:$0x2] =	sbarrier.arrive $0xFFFF  }
0x72: {  	[sflag:s0] =	ssyncadd.tile.s32 @!p0 $0x1;
	_ =	shalt  }
.Lfunc_end2:
_tile_overlayer_lowered:
.L_overlay_start_2:
0x73: {  	(tag) =	ssettag $0x2  }
0x74: {  	s0 =	rddreg [dreg:$0x0];
	s2 =	stileid.u32  }
0x75: {  	s1 =	rddreg [dreg:$0x1];
	p0 =	sne.s32 s2, $0x0  }
0x76: {  	s3 =	rddreg [dreg:$0x2];
	[bflag:$0x3] =	sbarrier.arrive $0xFFFF;
	s2 =	simm.s32 @!p0 $0x1C02  }
0x77: {  	[timem:s3], [sflag:s2] =	dma.local @!p0 [hbm:s0], s1  }
0x78: {  	s0 =	simm.s32 @!p0 $0x2  }
0x79: {  	_ =	swait.ge @!p0 [sflag:s0], s1  }
0x7a: {  	s1 =	ssub.s32 @!p0 $0x0, s1;
	[sflag:s0] =	ssyncset.done @!p0 $0x0  }
0x7b: {  	[sflag:s0] =	ssyncadd.s32 @!p0 s1  }
0x7c: {  	[bflag:$0x3] =	sbarrier.arrive $0xFFFF  }
0x7d: {  	_ =	shalt  }

// kernel: kernel.14.cloned.1.call-start
scs
__scs_entry_jumppad:
0x0: {  	(pc) =	sbr.rel $0x88, $3  }
0x1: {  	(tag) =	ssettag $0x0;
	lr =	simm.s32 $0x1  }
0x2: {  	[smem:$0x3F99] =	sst lr;
	_ =	strace $0xD0000000  }
0x3: {  	_ = 	snop  }
0x4: {  	_ = 	snop  }
0x5: {  	_ = 	snop  }
0x6: {  	_ = 	snop  }
0x7: {  	_ = 	snop  }
__scs_overlays_trampoline_lowered:
0x8: {  	[smem:$0x3FA8] =	sst s0  }
0x9: {  	[smem:$0x3FA9] =	sst s1  }
0xa: {  	[smem:$0x3FAA] =	sst s2  }
0xb: {  	[smem:$0x3FAB] =	sst s3  }
0xc: {  	[smem:$0x3FAC] =	sst s4  }
0xd: {  	[smem:$0x3FAD] =	sst s5  }
0xe: {  	[smem:$0x3FAE] =	sst s6  }
0xf: {  	[smem:$0x3FAF] =	sst s7  }
0x10: {  	[smem:$0x3FB0] =	sst s8  }
0x11: {  	[smem:$0x3FB1] =	sst s9;
	s0 =	simm.s32 @!p0 $0x0  }
0x12: {  	s1 =	sld [smem:$0x3F97];
	s0 =	simm.s32 @p0 $0x1  }
0x13: {  	[smem:$0x3FB2] =	sst s0;
	s0 =	simm.s32 @!p1 $0x0  }
0x14: {  	s2 =	sld [smem:$0x3F96];
	s0 =	simm.s32 @p1 $0x1  }
0x15: {  	[smem:$0x3FB3] =	sst s0;
	s0 =	simm.s32 @!p2 $0x0  }
0x16: {  	s3 =	sld [smem:$0x3FDB];
	s0 =	simm.s32 @p2 $0x1  }
0x17: {  	s4 =	simm.s32 $0x1BF5;
	[smem:$0x3FB5] =	sst s0  }
0x18: {  	s0 =	sld [smem:$0x3F98];
	_ =	swait.ge [sflag:s4], $0x0  }
0x19: {  	s7 =	sld [smem:$0x3F99]  }
0x1a: {  	s8 =	sadd.s32 $0xFFFFE003, lr  }
0x1b: {  	s9 =	sadd.s32 $0xFFFFFEF7, lr;
	s5 =	simm.s32 $0xFFFFFFFF;
	p2 =	slt.u32 s8, $0xFFFFF086  }
0x1c: {  	p1 =	slt.u32 s9, $0xF7A;
	s5 =	simm.s32 @!p2 $0x0  }
0x1d: {  	s5 =	simm.s32 @p1 $0x1;
	p0 =	seq.s32 s7, s2  }
0x1e: {  	s7 =	smul.u32 @!p0 $0xF7A, s2;
	p2 =	seq.s32 @!p0 s5, $0x0  }
0x1f: {  	s9 =	smul.u32 $0xF7A, s1;
	s8 =	simm.s32 @!p0 $0x1BF5;
	p2 =	por !p2, p0  }
0x20: {  	[sflag:s8] =	ssyncset.s32 @!p0 $0xFFFFF086;
	s6 =	sadd.s32 @!p0 s3, s7;
	s7 =	simm.s32 @!p0 $0x108  }
0x21: {  	s3 =	sadd.s32 s3, s9;
	s6 =	sadd.s32 @!p0 $0x88, s6;
	s7 =	simm.s32 @p2 $0x1082  }
0x22: {  	[simem:s7], [sflag:s8] =	dma.local @!p0 [hbm:s6], $0xF7A  }
0x23: {  	s9 =	sor.u32 $0xD0000000, s2;
	s6 =	simm.s32 $0x108;
	_ =	swait.ge @!p0 [sflag:s8], $0x0  }
0x24: {  	s3 =	sadd.s32 $0x88, s3;
	s6 =	simm.s32 @!p1 $0x1082;
	[sflag:s4] =	ssyncset.s32 $0xFFFFF086  }
0x25: {  	[simem:s6], [sflag:s4] =	dma.local [hbm:s3], $0xF7A  }
0x26: {  	[smem:$0x3F99] =	sst s1;
	(tag) =	ssettag s2;
	_ =	strace s9  }
0x27: {  	s1 =	sld [smem:$0x3FA9]  }
0x28: {  	s2 =	sld [smem:$0x3FAA]  }
0x29: {  	s4 =	sld [smem:$0x3FAC]  }
0x2a: {  	p0 =	seq.s32 s5, $0x0;
	s5 =	sld [smem:$0x3FAD]  }
0x2b: {  	s6 =	sld [smem:$0x3FAE]  }
0x2c: {  	s7 =	sld [smem:$0x3FAF]  }
0x2d: {  	s3 =	simm.s32 $0x108;
	s8 =	sld [smem:$0x3FB0]  }
0x2e: {  	s3 =	simm.s32 @!p0 $0x1082;
	s9 =	sld [smem:$0x3FB1]  }
0x2f: {  	lr =	sadd.s32 s0, s3;
	s0 =	sld [smem:$0x3FA8]  }
0x30: {  	s3 =	sld [smem:$0x3FAB]  }
0x31: {  	[smem:$0x3FB4] =	sst s10  }
0x32: {  	s10 =	sld [smem:$0x3FB2];
	_ =	sdelay $0x3  }
0x33: {  	p0 =	seq.s32 s10, $0x1;
	s10 =	sld [smem:$0x3FB4];
	_ =	sdelay $0x3  }
0x34: {  	[smem:$0x3FB4] =	sst s10  }
0x35: {  	s10 =	sld [smem:$0x3FB3];
	_ =	sdelay $0x3  }
0x36: {  	p1 =	seq.s32 s10, $0x1;
	s10 =	sld [smem:$0x3FB4];
	_ =	sdelay $0x3  }
0x37: {  	[smem:$0x3FB4] =	sst s10  }
0x38: {  	s10 =	sld [smem:$0x3FB5]  }
0x39: {  	_ = 	snop;
	(pc) =	sbr.ind lr, $3  }
0x3a: {  	_ = 	snop  }
0x3b: {  	_ = 	snop  }
0x3c: {  	p2 =	seq.s32 s10, $0x1;
	s10 =	sld [smem:$0x3FB4]  }
0x3d: {  	_ =	shalt  }
0x3e: {  	_ =	shalt  }
0x3f: {  	_ =	shalt  }
0x40: {  	_ =	shalt  }
0x41: {  	_ =	shalt  }
0x42: {  	_ =	shalt  }
0x43: {  	_ =	shalt  }
0x44: {  	_ =	shalt  }
0x45: {  	_ =	shalt  }
0x46: {  	_ =	shalt  }
0x47: {  	_ =	shalt  }
0x48: {  	_ =	shalt  }
0x49: {  	_ =	shalt  }
0x4a: {  	_ =	shalt  }
0x4b: {  	_ =	shalt  }
0x4c: {  	_ =	shalt  }
0x4d: {  	_ =	shalt  }
0x4e: {  	_ =	shalt  }
0x4f: {  	_ =	shalt  }
0x50: {  	_ =	shalt  }
0x51: {  	_ =	shalt  }
0x52: {  	_ =	shalt  }
0x53: {  	_ =	shalt  }
0x54: {  	_ =	shalt  }
0x55: {  	_ =	shalt  }
0x56: {  	_ =	shalt  }
0x57: {  	_ =	shalt  }
0x58: {  	_ =	shalt  }
0x59: {  	_ =	shalt  }
0x5a: {  	_ =	shalt  }
0x5b: {  	_ =	shalt  }
0x5c: {  	_ =	shalt  }
0x5d: {  	_ =	shalt  }
0x5e: {  	_ =	shalt  }
0x5f: {  	_ =	shalt  }
0x60: {  	_ =	shalt  }
0x61: {  	_ =	shalt  }
0x62: {  	_ =	shalt  }
0x63: {  	_ =	shalt  }
0x64: {  	_ =	shalt  }
0x65: {  	_ =	shalt  }
0x66: {  	_ =	shalt  }
0x67: {  	_ =	shalt  }
0x68: {  	_ =	shalt  }
0x69: {  	_ =	shalt  }
0x6a: {  	_ =	shalt  }
0x6b: {  	_ =	shalt  }
0x6c: {  	_ =	shalt  }
0x6d: {  	_ =	shalt  }
0x6e: {  	_ =	shalt  }
0x6f: {  	_ =	shalt  }
0x70: {  	_ =	shalt  }
0x71: {  	_ =	shalt  }
0x72: {  	_ =	shalt  }
0x73: {  	_ =	shalt  }
0x74: {  	_ =	shalt  }
0x75: {  	_ =	shalt  }
0x76: {  	_ =	shalt  }
0x77: {  	_ =	shalt  }
0x78: {  	_ =	shalt  }
0x79: {  	_ =	shalt  }
0x7a: {  	_ =	shalt  }
0x7b: {  	_ =	shalt  }
0x7c: {  	_ =	shalt  }
0x7d: {  	_ =	shalt  }
0x7e: {  	_ =	shalt  }
0x7f: {  	_ =	shalt  }
0x80: {  	_ =	shalt  }
0x81: {  	_ =	shalt  }
0x82: {  	_ =	shalt  }
0x83: {  	_ =	shalt  }
0x84: {  	_ =	shalt  }
0x85: {  	_ =	shalt  }
0x86: {  	_ =	shalt  }
0x87: {  	_ =	shalt  }
.Lfunc_end0:
.L_simem_size_0:
called_computation.2_lowered:
.L_overlay_start_0:
0x88: {  	s2 =	sld [smem:$0x3FD9]  }
0x89: {  	s3 =	sld [smem:$0x3FFE];
	_ =	sdelay $0x1  }
0x8a: {  	s1 =	srdreg.scid  }
0x8b: {  	s0 =	sand.u32 $0x1, s1  }
0x8c: {  	s14 =	sshll.u32 s0, $0xA;
	s2 =	sadd.s32 s3, s2  }
0x8d: {  	s2 =	sadd.s32 s2, s14  }
0x8e: {  	[smem:$0x3FC0] =	sst s2  }
0x8f: {  	_ = 	snop  }
0x90: {  	s2 =	sld [smem:$0x3FD0];
	_ =	sdelay $0x2  }
0x91: {  	s15 =	simm.s32 $0xA;
	s4 =	simm.s32 $0x10  }
0x92: {  	[smem:s4], [sflag:s15] =	dma.local [hbm:s2], $0x1  }
0x93: {  	_ =	swait.eq [sflag:s15], $0x1  }
0x94: {  	[sflag:s15] =	ssyncset.done $0x0  }
0x95: {  	s16 =	sld [smem:$0x10];
	[sflag:s15] =	ssyncadd.s32 $0xFFFFFFFF  }
0x96: {  	s17 =	sld [smem:$0x11];
	(tm) =	ssettm $0x1  }
0x97: {  	s18 =	sld [smem:$0x3FFB];
	_ =	sdelay $0x3  }
0x98: {  	_ =	strace s18  }
0x99: {  	s4 =	sld [smem:$0x3FFC];
	_ =	sdelay $0x3  }
0x9a: {  	_ =	strace s4  }
0x9b: {  	s4 =	sld [smem:$0x3FFD];
	_ =	sdelay $0x3  }
0x9c: {  	_ =	strace s4  }
0x9d: {  	_ =	strace $0x8FFFFFFF  }
0x9e: {  	s19 =	sld [smem:$0x3FDB];
	_ =	sdelay $0x1  }
0x9f: {  	s5 =	simm.s32 $_scs_section_size  }
0xa0: {  	s6 =	simm.s32 $_size__tile_overlayer_lowered;
	s7 =	simm.s32 $_tile_overlayer_lowered  }
0xa1: {  	s22 =	simm.s32 $0x1BFF;
	s21 =	sshll.u32 s7, $0x1;
	s4 =	sadd.s32 s5, s19  }
0xa2: {  	s8 =	simm.s32 $0x0;
	s20 =	sshll.u32 s6, $0x1;
	s6 =	sadd.s32 s21, s4  }
0xa3: {  	[timem:s8], [sflag:s22] =	dma.local [hbm:s6], s20  }
0xa4: {  	_ =	swait.ge [sflag:s22], s20  }
0xa5: {  	s5 =	ssub.s32 $0x0, s20;
	[sflag:s22] =	ssyncset.done $0x0  }
0xa6: {  	[sflag:s22] =	ssyncadd.s32 s5;
	_ =	sdelay $0x1  }
0xa7: {  	s23 =	simm.s32 $0x1B8B  }
0xa8: {  	_ =	swait.ge [sflag:s23], $0x1  }
0xa9: {  	[sflag:s23] =	ssyncset.done $0x0  }
0xaa: {  	s25 =	simm.s32 $0x1B8E;
	s24 =	sld [smem:$0x3FFE];
	[sflag:s23] =	ssyncadd.s32 $0xFFFFFFFF  }
0xab: {  	s26 =	simm.s32 $execute0_lowered;
	[smem:$0x3FD2] =	sst s25  }
0xac: {  	s6 =	sshll.u32 s26, $0x1;
	_ =	strace $0x8000004C;
	[dreg:$0x1] =	wrdreg $0xFFFFFFFF  }
0xad: {  	s28 =	simm.s32 $_size_execute0_lowered;
	s4 =	sadd.s32 s4, s6;
	[dreg:$0x0] =	wrdreg $0x0  }
0xae: {  	s6 =	sshll.u32 s28, $0x1;
	[dreg:$0x2] =	wrdreg s4  }
0xaf: {  	[dreg:$0x3] =	wrdreg s6  }
0xb0: {  	[dreg:$0x4] =	wrdreg $0xC0  }
0xb1: {  	_ =	task [dreg:s8], $0x5FFFF  }
0xb2: {  	[dreg:$0x1] =	wrdreg $0xFFFFFFFF  }
0xb3: {  	[dreg:$0x0] =	wrdreg $0x60  }
0xb4: {  	[dreg:$0x2] =	wrdreg s24  }
0xb5: {  	[dreg:$0x3] =	wrdreg s17  }
0xb6: {  	[dreg:$0x4] =	wrdreg s16  }
0xb7: {  	[dreg:$0x5] =	wrdreg $0x98000  }
0xb8: {  	[dreg:$0x6] =	wrdreg $0x9  }
0xb9: {  	_ =	task.clear_ibuf [dreg:s8], $0x7FFFF;
	_ =	strace $0x9000004C  }
0xba: {  	s29 =	simm.s32 $0x9;
	_ =	strace $0x8000004E  }
0xbb: {  	_ =	swait.ge [sflag:s29], $0x1  }
0xbc: {  	[sflag:s29] =	ssyncadd.s32 $0xFFFFFFFF  }
0xbd: {  	_ =	strace $0x9000004E  }
0xbe: {  	_ =	sfence  }
0xbf: {  	s30 =	sld [smem:$0x0];
	_ =	sdelay $0x2  }
0xc0: {  	s31 =	sshll.u32 s1, $0xD;
	s1 =	sshrl.u32 s1, $0x2  }
0xc1: {  	s3 =	sand.u32 $0x4000, s31;
	s1 =	sadd.s32 s1, s30  }
0xc2: {  	s0 =	sor.u32 s3, s0;
	s1 =	sshll.u32 s1, $0x11  }
0xc3: {  	s0 =	sor.u32 s1, s0  }
0xc4: {  	s0 =	sadd.s32 $0x8F2B, s0  }
0xc5: {  	[sflag:s0] =	ssyncadd.remote.s32 $0x1  }
0xc6: {  	_ =	sfence.sel $0xFFFF  }
0xc7: {  	[dreg:$0x0] =	wrdreg $0xFFFFFFFF;
	(pc) =	sbr.abs _section_cstart, $3  }
0xc8: {  	[dreg:$0x1] =	wrdreg $0xFFFFFFFF  }
0xc9: {  	_ =	task.clear_ibuf [dreg:s8], $0x2FFFF;
	_ =	strace $0x9FFFFFFF  }
0xca: {  	(tm) =	ssettm $0x7FFFFFFF  }
0xcb: {  	_ =	shalt  }
tec
execute0_lowered:
.L_overlay_start_1:
0x0: {  	(tag) =	ssettag $0x1  }
0x1: {  	s5 =	rddreg [dreg:$0x0]  }
0x2: {  	s11 =	rddreg [dreg:$0x1]  }
0x3: {  	s12 =	rddreg [dreg:$0x2]  }
0x4: {  	s2 =	rddreg [dreg:$0x3]  }
0x5: {  	s0 =	rddreg [dreg:$0x4];
	s3 =	simm.s32 $0x0;
	s4 =	srdreg.scid  }
0x6: {  	s1 =	stileid.u32;
	[smem:$0x7FF] =	sst s3;
	s15 =	sand.u32 $0x1, s4  }
0x7: {  	s23 =	sshll.u32 s1, $0x1;
	s4 =	sadd.s32 $0x52E00, s5;
	s18 =	sadd.s32 $0x7A000, s5  }
0x8: {  	s10 =	smul.u32 $0x50000, s1;
	p0 =	slt.u32 s1, $0x2;
	s5 =	simm.s32 $0x4F  }
0x9: {  	s13 =	smul.u32 $0x14000, s1;
	s28 =	sshll.u32 s1, $0x2;
	_ =	strace $0x8000004D  }
0xa: {  	s6 =	sor.u32 s15, s23;
	s7 =	ssub.s32 $0x2, s15;
	s22 =	smul.u32 $0x140000, s15  }
0xb: {  	s5 =	simm.s32 @!p0 $0x4E;
	s15 =	sshll.u32 s15, $0x1;
	s8 =	smul.u32 $0x4E, s6  }
0xc: {  	s9 =	sshrl.u32 s7, $0x1;
	s16 =	smin.u32 s6, $0x4;
	s24 =	sshrl.u32 s10, $0x2  }
0xd: {  	s17 =	sadd.s32 $0x4000, s13;
	s20 =	sadd.s32 $0x8000, s13;
	s21 =	sadd.s32 $0xC000, s13  }
0xe: {  	s23 =	sadd.s32 $0x10000, s13;
	s19 =	ssub.s32 s7, s9;
	s6 =	sadd.s32 s24, s2  }
0xf: {  	s7 =	sadd.s32 s17, s2;
	s9 =	sadd.s32 s21, s2;
	s10 =	sadd.s32 s23, s2  }
0x10: {  	s13 =	sadd.s32 s13, s22;
	s17 =	sadd.s32 s22, s17;
	s26 =	sadd.s32 s22, s20  }
0x11: {  	s29 =	sadd.s32 s22, s21;
	s30 =	sadd.s32 s22, s23;
	s21 =	simm.s32 $0x5800  }
0x12: {  	s22 =	simm.s32 $0x2;
	s23 =	simm.s32 $0x2C00;
	s24 =	simm.s32 $0x80  }
0x13: {  	s14 =	sadd.s32 s16, s8;
	s8 =	sadd.s32 s20, s2;
	s13 =	sshrl.u32 s13, $0x3  }
0x14: {  	s25 =	sshrl.u32 s17, $0x3;
	s17 =	sshrl.u32 s26, $0x3;
	s16 =	ssub.s32 s16, s15  }
0x15: {  	s20 =	sshrl.u32 s30, $0x3;
	s19 =	smax.u32 s19, $0x1;
	s26 =	simm.s32 $0x0  }
0x16: {  	s14 =	sshll.u32 s14, $0x4;
	s13 =	sadd.s32 s18, s13;
	s15 =	sadd.s32 s18, s17  }
0x17: {  	s16 =	sadd.s32 s16, s28;
	s17 =	sshrl.u32 s29, $0x3;
	s14 =	sand.u32 $0x1FF80, s14  }
0x18: {  	s31 =	sand.u32 $0x7, s16;
	s16 =	sadd.s32 s18, s17;
	s11 =	sadd.s32 s11, s14  }
0x19: {  	s12 =	sadd.s32 s12, s14;
	s14 =	sadd.s32 s18, s25;
	s17 =	sshll.u32 s31, $0x7  }
0x1a: {  	v0 =	vimm.f32 $0.0e+00;
	s18 =	sadd.s32 s18, s20;
	s25 =	simm.s32 $0x1;
	s20 =	sor.u32 $0x2C00, s17  }
.LBB2_1:
0x1b: {  	s28 =	simm.s32 $0x0;
	s29 =	simm.s32 $0x200  }
.LBB2_2:
0x1c: {  	p0 =	sne.s32 s29, $0xFE00;
	[tilespmem:s28+$0x5870] =	vst v0  }
0x1d: {  	[tilespmem:s28+$0x5800] =	vst v0  }
0x1e: {  	[tilespmem:s28+$0x5810] =	vst v0  }
.Ltmp0:
0x1f: {  	[tilespmem:s28+$0x5820] =	vst v0;
	(pc) =	sbr.rel @p0 .LBB2_2-.Ltmp0, $4  }
0x20: {  	[tilespmem:s28+$0x5830] =	vst v0  }
0x21: {  	[tilespmem:s28+$0x5840] =	vst v0  }
0x22: {  	[tilespmem:s28+$0x5850] =	vst v0  }
0x23: {  	[tilespmem:s28+$0x5860] =	vst v0;
	s28 =	sshra.s32 s29, $0x2;
	s29 =	sadd.s32 $0x200, s29  }
0x24: {  	[tilespmem:s28+$0x5870] =	vst v0  }
0x25: {  	[tilespmem:s28+$0x5800] =	vst v0  }
0x26: {  	[tilespmem:s28+$0x5810] =	vst v0  }
0x27: {  	[tilespmem:s28+$0x5820] =	vst v0  }
0x28: {  	[tilespmem:s28+$0x5830] =	vst v0  }
0x29: {  	[tilespmem:s28+$0x5840] =	vst v0  }
0x2a: {  	[tilespmem:s28+$0x5850] =	vst v0  }
0x2b: {  	[tilespmem:s28+$0x5860] =	vst v0  }
0x2c: {  	[spmem:s6] =	stream.linear.scatter [tilespmem:s21], [sflag:$0x2], $0x4000, $0x38;
	[tilespmem:$0x1D800] =	vst v63  }
0x2d: {  	_ =	swait.ge [sflag:s22], $0x4000  }
0x2e: {  	[sflag:s22] =	ssyncset.done $0x0  }
0x2f: {  	[sflag:s22] =	ssyncadd.s32 $0xFFFFC000  }
0x30: {  	[spmem:s7] =	stream.linear.scatter [tilespmem:s21], [sflag:$0x2], $0x4000, $0x38;
	[tilespmem:$0x1D800] =	vst v63  }
0x31: {  	_ =	swait.ge [sflag:s22], $0x4000  }
0x32: {  	[sflag:s22] =	ssyncset.done $0x0  }
0x33: {  	[sflag:s22] =	ssyncadd.s32 $0xFFFFC000  }
0x34: {  	[spmem:s8] =	stream.linear.scatter [tilespmem:s21], [sflag:$0x2], $0x4000, $0x38;
	[tilespmem:$0x1D800] =	vst v63  }
0x35: {  	_ =	swait.ge [sflag:s22], $0x4000  }
0x36: {  	[sflag:s22] =	ssyncset.done $0x0  }
0x37: {  	[sflag:s22] =	ssyncadd.s32 $0xFFFFC000  }
0x38: {  	[spmem:s9] =	stream.linear.scatter [tilespmem:s21], [sflag:$0x2], $0x4000, $0x38;
	[tilespmem:$0x1D800] =	vst v63  }
0x39: {  	_ =	swait.ge [sflag:s22], $0x4000  }
0x3a: {  	[sflag:s22] =	ssyncset.done $0x0  }
0x3b: {  	[sflag:s22] =	ssyncadd.s32 $0xFFFFC000  }
0x3c: {  	[spmem:s10] =	stream.linear.scatter [tilespmem:s21], [sflag:$0x2], $0x4000, $0x38;
	[tilespmem:$0x1D800] =	vst v63  }
0x3d: {  	_ =	swait.ge [sflag:s22], $0x4000  }
0x3e: {  	[sflag:s22] =	ssyncset.done $0x0  }
0x3f: {  	[sflag:s22] =	ssyncadd.s32 $0xFFFFC000  }
0x40: {  	[bflag:$0x0] =	sbarrier.arrive $0xFFFF  }
0x41: {  	[tilespmem:s3], [sflag:$0x2] =	stream.linear.gather [hbm4b:s11+s3], $0x2C00, $0x38;
	[tilespmem:$0x1D800] =	vst v63  }
0x42: {  	_ =	swait.ge [sflag:s22], $0x2C00  }
0x43: {  	[sflag:s22] =	ssyncset.done $0x0  }
0x44: {  	[sflag:s22] =	ssyncadd.s32 $0xFFFFD400  }
0x45: {  	[tilespmem:s23], [sflag:$0x2] =	stream.linear.gather [hbm4b:s12+s3], $0x2C00, $0x38;
	[tilespmem:$0x1D800] =	vst v63  }
0x46: {  	_ =	swait.ge [sflag:s22], $0x2C00  }
0x47: {  	[sflag:s22] =	ssyncset.done $0x0  }
0x48: {  	[sflag:s22] =	ssyncadd.s32 $0xFFFFD400  }
0x49: {  	[tilespmem:s21], [sflag:$0x1] =	stream.indirect.gather [hbm4b:s4+s24], $0x80, s17, s24, $0xb8;
	[tilespmem:$0x1D800] =	vst v63  }
0x4a: {  	p0 =	sne.s32 s5, $0x1;
	_ =	swait.ge [sflag:s25], $0x4000  }
.Ltmp1:
0x4b: {  	[sflag:s25] =	ssyncset.done $0x0;
	(pc) =	sbr.rel @!p0 .LBB2_5-.Ltmp1, $4  }
0x4c: {  	[sflag:s25] =	ssyncadd.s32 $0xFFFFC000  }
0x4d: {  	[spmem:s2] =	stream.indirect.scatter.add.f32 [tilespmem:s21], [sflag:$0x2], $0x80, s20, s24, $0xb8;
	[tilespmem:$0x1D800] =	vst v63  }
0x4e: {  	s28 =	sadd.s32 $0xFFFFFFFF, s5;
	_ =	swait.ge [sflag:s22], $0x4000  }
0x4f: {  	s29 =	smov.u32 s17;
	s30 =	smov.u32 s20;
	[sflag:s22] =	ssyncset.done $0x0  }
.LBB2_4:
0x50: {  	[sflag:s22] =	ssyncadd.s32 $0xFFFFC000;
	s29 =	sadd.s32 $0x80, s29;
	s30 =	sadd.s32 $0x80, s30  }
0x51: {  	[tilespmem:s21], [sflag:$0x1] =	stream.indirect.gather [hbm4b:s4+s24], $0x80, s29, s24, $0xb8;
	[tilespmem:$0x1D800] =	vst v63  }
0x52: {  	p0 =	sne.s32 s28, $0x1;
	s28 =	sadd.s32 $0xFFFFFFFF, s28;
	_ =	swait.ge [sflag:s25], $0x4000  }
.Ltmp2:
0x53: {  	[sflag:s25] =	ssyncset.done $0x0;
	(pc) =	sbr.rel @p0 .LBB2_4-.Ltmp2, $4  }
0x54: {  	[sflag:s25] =	ssyncadd.s32 $0xFFFFC000  }
0x55: {  	[spmem:s2] =	stream.indirect.scatter.add.f32 [tilespmem:s21], [sflag:$0x2], $0x80, s30, s24, $0xb8;
	[tilespmem:$0x1D800] =	vst v63  }
0x56: {  	_ =	swait.ge [sflag:s22], $0x4000  }
0x57: {  	[sflag:s22] =	ssyncset.done $0x0  }
.LBB2_5:
0x58: {  	[sflag:s22] =	ssyncadd.s32 $0xFFFFC000;
	s28 =	sshll.u32 s1, $0x6  }
0x59: {  	s29 =	sshrl.u32 s6, $0x3;
	[bflag:$0x0] =	sbarrier.arrive $0xFFFF;
	s28 =	sor.u32 $0x1C02, s28  }
0x5a: {  	[hbm:s13], [sflag:s28] =	dma.local [spmem:s29], $0x800  }
0x5b: {  	_ =	swait.ge [sflag:s22], $0x800  }
0x5c: {  	[sflag:s22] =	ssyncset.done $0x0  }
0x5d: {  	s30 =	sshrl.u32 s7, $0x3;
	[sflag:s22] =	ssyncadd.s32 $0xFFFFF800  }
0x5e: {  	[hbm:s14], [sflag:s28] =	dma.local [spmem:s30], $0x800  }
0x5f: {  	_ =	swait.ge [sflag:s22], $0x800  }
0x60: {  	[sflag:s22] =	ssyncset.done $0x0  }
0x61: {  	s31 =	sshrl.u32 s8, $0x3;
	[sflag:s22] =	ssyncadd.s32 $0xFFFFF800  }
0x62: {  	[hbm:s15], [sflag:s28] =	dma.local [spmem:s31], $0x800  }
0x63: {  	_ =	swait.ge [sflag:s22], $0x800  }
0x64: {  	[sflag:s22] =	ssyncset.done $0x0  }
0x65: {  	s30 =	sshrl.u32 s9, $0x3;
	[sflag:s22] =	ssyncadd.s32 $0xFFFFF800  }
0x66: {  	[hbm:s16], [sflag:s28] =	dma.local [spmem:s30], $0x800  }
0x67: {  	s26 =	sadd.s32 $0x1, s26;
	_ =	swait.ge [sflag:s22], $0x800  }
0x68: {  	p0 =	sne.s32 s26, s19;
	[sflag:s22] =	ssyncset.done $0x0  }
.Ltmp3:
0x69: {  	s31 =	sshrl.u32 s10, $0x3;
	[sflag:s22] =	ssyncadd.s32 $0xFFFFF800;
	(pc) =	sbr.rel @p0 .LBB2_1-.Ltmp3, $4  }
0x6a: {  	[hbm:s18], [sflag:s28] =	dma.local [spmem:s31], $0x800  }
0x6b: {  	_ =	swait.ge [sflag:s22], $0x800  }
0x6c: {  	[sflag:s22] =	ssyncset.done $0x0  }
0x6d: {  	[sflag:s22] =	ssyncadd.s32 $0xFFFFF800  }
0x6e: {  	_ =	sfence.sel $0x180000  }
0x6f: {  	[bflag:$0x0] =	sbarrier.arrive $0xFFFF  }
0x70: {  	p0 =	sne.s32 s1, $0x0;
	_ =	strace $0x9000004D  }
0x71: {  	s0 =	sadd.s32 @!p0 $0x100000, s0;
	[bflag:$0x2] =	sbarrier.arrive $0xFFFF  }
0x72: {  	[sflag:s0] =	ssyncadd.tile.s32 @!p0 $0x1;
	_ =	shalt  }
.Lfunc_end2:
_tile_overlayer_lowered:
.L_overlay_start_2:
0x73: {  	(tag) =	ssettag $0x2  }
0x74: {  	s0 =	rddreg [dreg:$0x0];
	s2 =	stileid.u32  }
0x75: {  	s1 =	rddreg [dreg:$0x1];
	p0 =	sne.s32 s2, $0x0  }
0x76: {  	s3 =	rddreg [dreg:$0x2];
	[bflag:$0x3] =	sbarrier.arrive $0xFFFF;
	s2 =	simm.s32 @!p0 $0x1C02  }
0x77: {  	[timem:s3], [sflag:s2] =	dma.local @!p0 [hbm:s0], s1  }
0x78: {  	s0 =	simm.s32 @!p0 $0x2  }
0x79: {  	_ =	swait.ge @!p0 [sflag:s0], s1  }
0x7a: {  	s1 =	ssub.s32 @!p0 $0x0, s1;
	[sflag:s0] =	ssyncset.done @!p0 $0x0  }
0x7b: {  	[sflag:s0] =	ssyncadd.s32 @!p0 s1  }
0x7c: {  	[bflag:$0x3] =	sbarrier.arrive $0xFFFF  }
0x7d: {  	_ =	shalt  }

// kernel: kernel.8.cloned.1.call-start
scs
__scs_entry_jumppad:
0x0: {  	(pc) =	sbr.rel $0x88, $3  }
0x1: {  	(tag) =	ssettag $0x0;
	lr =	simm.s32 $0x1  }
0x2: {  	[smem:$0x3F99] =	sst lr;
	_ =	strace $0xD0000000  }
0x3: {  	_ = 	snop  }
0x4: {  	_ = 	snop  }
0x5: {  	_ = 	snop  }
0x6: {  	_ = 	snop  }
0x7: {  	_ = 	snop  }
__scs_overlays_trampoline_lowered:
0x8: {  	[smem:$0x3FA8] =	sst s0  }
0x9: {  	[smem:$0x3FA9] =	sst s1  }
0xa: {  	[smem:$0x3FAA] =	sst s2  }
0xb: {  	[smem:$0x3FAB] =	sst s3  }
0xc: {  	[smem:$0x3FAC] =	sst s4  }
0xd: {  	[smem:$0x3FAD] =	sst s5  }
0xe: {  	[smem:$0x3FAE] =	sst s6  }
0xf: {  	[smem:$0x3FAF] =	sst s7  }
0x10: {  	[smem:$0x3FB0] =	sst s8  }
0x11: {  	[smem:$0x3FB1] =	sst s9;
	s0 =	simm.s32 @!p0 $0x0  }
0x12: {  	s1 =	sld [smem:$0x3F97];
	s0 =	simm.s32 @p0 $0x1  }
0x13: {  	[smem:$0x3FB2] =	sst s0;
	s0 =	simm.s32 @!p1 $0x0  }
0x14: {  	s2 =	sld [smem:$0x3F96];
	s0 =	simm.s32 @p1 $0x1  }
0x15: {  	[smem:$0x3FB3] =	sst s0;
	s0 =	simm.s32 @!p2 $0x0  }
0x16: {  	s3 =	sld [smem:$0x3FDB];
	s0 =	simm.s32 @p2 $0x1  }
0x17: {  	s4 =	simm.s32 $0x1BF5;
	[smem:$0x3FB5] =	sst s0  }
0x18: {  	s0 =	sld [smem:$0x3F98];
	_ =	swait.ge [sflag:s4], $0x0  }
0x19: {  	s7 =	sld [smem:$0x3F99]  }
0x1a: {  	s8 =	sadd.s32 $0xFFFFE003, lr  }
0x1b: {  	s9 =	sadd.s32 $0xFFFFFEF7, lr;
	s5 =	simm.s32 $0xFFFFFFFF;
	p2 =	slt.u32 s8, $0xFFFFF086  }
0x1c: {  	p1 =	slt.u32 s9, $0xF7A;
	s5 =	simm.s32 @!p2 $0x0  }
0x1d: {  	s5 =	simm.s32 @p1 $0x1;
	p0 =	seq.s32 s7, s2  }
0x1e: {  	s7 =	smul.u32 @!p0 $0xF7A, s2;
	p2 =	seq.s32 @!p0 s5, $0x0  }
0x1f: {  	s9 =	smul.u32 $0xF7A, s1;
	s8 =	simm.s32 @!p0 $0x1BF5;
	p2 =	por !p2, p0  }
0x20: {  	[sflag:s8] =	ssyncset.s32 @!p0 $0xFFFFF086;
	s6 =	sadd.s32 @!p0 s3, s7;
	s7 =	simm.s32 @!p0 $0x108  }
0x21: {  	s3 =	sadd.s32 s3, s9;
	s6 =	sadd.s32 @!p0 $0x88, s6;
	s7 =	simm.s32 @p2 $0x1082  }
0x22: {  	[simem:s7], [sflag:s8] =	dma.local @!p0 [hbm:s6], $0xF7A  }
0x23: {  	s9 =	sor.u32 $0xD0000000, s2;
	s6 =	simm.s32 $0x108;
	_ =	swait.ge @!p0 [sflag:s8], $0x0  }
0x24: {  	s3 =	sadd.s32 $0x88, s3;
	s6 =	simm.s32 @!p1 $0x1082;
	[sflag:s4] =	ssyncset.s32 $0xFFFFF086  }
0x25: {  	[simem:s6], [sflag:s4] =	dma.local [hbm:s3], $0xF7A  }
0x26: {  	[smem:$0x3F99] =	sst s1;
	(tag) =	ssettag s2;
	_ =	strace s9  }
0x27: {  	s1 =	sld [smem:$0x3FA9]  }
0x28: {  	s2 =	sld [smem:$0x3FAA]  }
0x29: {  	s4 =	sld [smem:$0x3FAC]  }
0x2a: {  	p0 =	seq.s32 s5, $0x0;
	s5 =	sld [smem:$0x3FAD]  }
0x2b: {  	s6 =	sld [smem:$0x3FAE]  }
0x2c: {  	s7 =	sld [smem:$0x3FAF]  }
0x2d: {  	s3 =	simm.s32 $0x108;
	s8 =	sld [smem:$0x3FB0]  }
0x2e: {  	s3 =	simm.s32 @!p0 $0x1082;
	s9 =	sld [smem:$0x3FB1]  }
0x2f: {  	lr =	sadd.s32 s0, s3;
	s0 =	sld [smem:$0x3FA8]  }
0x30: {  	s3 =	sld [smem:$0x3FAB]  }
0x31: {  	[smem:$0x3FB4] =	sst s10  }
0x32: {  	s10 =	sld [smem:$0x3FB2];
	_ =	sdelay $0x3  }
0x33: {  	p0 =	seq.s32 s10, $0x1;
	s10 =	sld [smem:$0x3FB4];
	_ =	sdelay $0x3  }
0x34: {  	[smem:$0x3FB4] =	sst s10  }
0x35: {  	s10 =	sld [smem:$0x3FB3];
	_ =	sdelay $0x3  }
0x36: {  	p1 =	seq.s32 s10, $0x1;
	s10 =	sld [smem:$0x3FB4];
	_ =	sdelay $0x3  }
0x37: {  	[smem:$0x3FB4] =	sst s10  }
0x38: {  	s10 =	sld [smem:$0x3FB5]  }
0x39: {  	_ = 	snop;
	(pc) =	sbr.ind lr, $3  }
0x3a: {  	_ = 	snop  }
0x3b: {  	_ = 	snop  }
0x3c: {  	p2 =	seq.s32 s10, $0x1;
	s10 =	sld [smem:$0x3FB4]  }
0x3d: {  	_ =	shalt  }
0x3e: {  	_ =	shalt  }
0x3f: {  	_ =	shalt  }
0x40: {  	_ =	shalt  }
0x41: {  	_ =	shalt  }
0x42: {  	_ =	shalt  }
0x43: {  	_ =	shalt  }
0x44: {  	_ =	shalt  }
0x45: {  	_ =	shalt  }
0x46: {  	_ =	shalt  }
0x47: {  	_ =	shalt  }
0x48: {  	_ =	shalt  }
0x49: {  	_ =	shalt  }
0x4a: {  	_ =	shalt  }
0x4b: {  	_ =	shalt  }
0x4c: {  	_ =	shalt  }
0x4d: {  	_ =	shalt  }
0x4e: {  	_ =	shalt  }
0x4f: {  	_ =	shalt  }
0x50: {  	_ =	shalt  }
0x51: {  	_ =	shalt  }
0x52: {  	_ =	shalt  }
0x53: {  	_ =	shalt  }
0x54: {  	_ =	shalt  }
0x55: {  	_ =	shalt  }
0x56: {  	_ =	shalt  }
0x57: {  	_ =	shalt  }
0x58: {  	_ =	shalt  }
0x59: {  	_ =	shalt  }
0x5a: {  	_ =	shalt  }
0x5b: {  	_ =	shalt  }
0x5c: {  	_ =	shalt  }
0x5d: {  	_ =	shalt  }
0x5e: {  	_ =	shalt  }
0x5f: {  	_ =	shalt  }
0x60: {  	_ =	shalt  }
0x61: {  	_ =	shalt  }
0x62: {  	_ =	shalt  }
0x63: {  	_ =	shalt  }
0x64: {  	_ =	shalt  }
0x65: {  	_ =	shalt  }
0x66: {  	_ =	shalt  }
0x67: {  	_ =	shalt  }
0x68: {  	_ =	shalt  }
0x69: {  	_ =	shalt  }
0x6a: {  	_ =	shalt  }
0x6b: {  	_ =	shalt  }
0x6c: {  	_ =	shalt  }
0x6d: {  	_ =	shalt  }
0x6e: {  	_ =	shalt  }
0x6f: {  	_ =	shalt  }
0x70: {  	_ =	shalt  }
0x71: {  	_ =	shalt  }
0x72: {  	_ =	shalt  }
0x73: {  	_ =	shalt  }
0x74: {  	_ =	shalt  }
0x75: {  	_ =	shalt  }
0x76: {  	_ =	shalt  }
0x77: {  	_ =	shalt  }
0x78: {  	_ =	shalt  }
0x79: {  	_ =	shalt  }
0x7a: {  	_ =	shalt  }
0x7b: {  	_ =	shalt  }
0x7c: {  	_ =	shalt  }
0x7d: {  	_ =	shalt  }
0x7e: {  	_ =	shalt  }
0x7f: {  	_ =	shalt  }
0x80: {  	_ =	shalt  }
0x81: {  	_ =	shalt  }
0x82: {  	_ =	shalt  }
0x83: {  	_ =	shalt  }
0x84: {  	_ =	shalt  }
0x85: {  	_ =	shalt  }
0x86: {  	_ =	shalt  }
0x87: {  	_ =	shalt  }
.Lfunc_end0:
.L_simem_size_0:
called_computation_lowered:
.L_overlay_start_0:
0x88: {  	s2 =	sld [smem:$0x3FD9]  }
0x89: {  	s3 =	sld [smem:$0x3FFE];
	_ =	sdelay $0x1  }
0x8a: {  	s1 =	srdreg.scid  }
0x8b: {  	s0 =	sand.u32 $0x1, s1  }
0x8c: {  	s14 =	sshll.u32 s0, $0xA;
	s2 =	sadd.s32 s3, s2  }
0x8d: {  	s2 =	sadd.s32 s2, s14  }
0x8e: {  	[smem:$0x3FC0] =	sst s2  }
0x8f: {  	_ = 	snop  }
0x90: {  	s2 =	sld [smem:$0x3FD0];
	_ =	sdelay $0x2  }
0x91: {  	s15 =	simm.s32 $0xA;
	s4 =	simm.s32 $0x10  }
0x92: {  	[smem:s4], [sflag:s15] =	dma.local [hbm:s2], $0x1  }
0x93: {  	_ =	swait.eq [sflag:s15], $0x1  }
0x94: {  	[sflag:s15] =	ssyncset.done $0x0  }
0x95: {  	[sflag:s15] =	ssyncadd.s32 $0xFFFFFFFF  }
0x96: {  	s16 =	sld [smem:$0x10];
	(tm) =	ssettm $0x1  }
0x97: {  	s17 =	sld [smem:$0x3FFB];
	_ =	sdelay $0x3  }
0x98: {  	_ =	strace s17  }
0x99: {  	s3 =	sld [smem:$0x3FFC];
	_ =	sdelay $0x3  }
0x9a: {  	_ =	strace s3  }
0x9b: {  	s3 =	sld [smem:$0x3FFD];
	_ =	sdelay $0x3  }
0x9c: {  	_ =	strace s3  }
0x9d: {  	_ =	strace $0x8FFFFFFF  }
0x9e: {  	s18 =	sld [smem:$0x3FDB];
	_ =	sdelay $0x1  }
0x9f: {  	s19 =	simm.s32 $_scs_section_size  }
0xa0: {  	s5 =	simm.s32 $_size__tile_overlayer_lowered;
	s6 =	simm.s32 $_tile_overlayer_lowered  }
0xa1: {  	s22 =	simm.s32 $0x1BFF;
	s21 =	sshll.u32 s6, $0x1;
	s3 =	sadd.s32 s19, s18  }
0xa2: {  	s7 =	simm.s32 $0x0;
	s20 =	sshll.u32 s5, $0x1;
	s5 =	sadd.s32 s21, s3  }
0xa3: {  	[timem:s7], [sflag:s22] =	dma.local [hbm:s5], s20  }
0xa4: {  	_ =	swait.ge [sflag:s22], s20  }
0xa5: {  	s4 =	ssub.s32 $0x0, s20;
	[sflag:s22] =	ssyncset.done $0x0  }
0xa6: {  	[sflag:s22] =	ssyncadd.s32 s4;
	_ =	sdelay $0x1  }
0xa7: {  	s23 =	simm.s32 $0x1B8B  }
0xa8: {  	_ =	swait.ge [sflag:s23], $0x1  }
0xa9: {  	[sflag:s23] =	ssyncset.done $0x0  }
0xaa: {  	s25 =	simm.s32 $0x1B8E;
	s24 =	sld [smem:$0x3FFE];
	[sflag:s23] =	ssyncadd.s32 $0xFFFFFFFF  }
0xab: {  	s26 =	simm.s32 $execute0_lowered;
	[smem:$0x3FD2] =	sst s25  }
0xac: {  	s5 =	sshll.u32 s26, $0x1;
	_ =	strace $0x80000046;
	[dreg:$0x1] =	wrdreg $0xFFFFFFFF  }
0xad: {  	s28 =	simm.s32 $_size_execute0_lowered;
	s3 =	sadd.s32 s3, s5;
	[dreg:$0x0] =	wrdreg $0x0  }
0xae: {  	s5 =	sshll.u32 s28, $0x1;
	[dreg:$0x2] =	wrdreg s3  }
0xaf: {  	[dreg:$0x3] =	wrdreg s5  }
0xb0: {  	[dreg:$0x4] =	wrdreg $0xC0  }
0xb1: {  	_ =	task [dreg:s7], $0x5FFFF  }
0xb2: {  	[dreg:$0x1] =	wrdreg $0xFFFFFFFF  }
0xb3: {  	[dreg:$0x0] =	wrdreg $0x60  }
0xb4: {  	[dreg:$0x2] =	wrdreg s16  }
0xb5: {  	[dreg:$0x3] =	wrdreg s24  }
0xb6: {  	[dreg:$0x4] =	wrdreg $0xAC000  }
0xb7: {  	[dreg:$0x5] =	wrdreg $0x9  }
0xb8: {  	_ =	task.clear_ibuf [dreg:s7], $0x6FFFF;
	_ =	strace $0x90000046  }
0xb9: {  	s29 =	simm.s32 $0x9;
	_ =	strace $0x80000048  }
0xba: {  	_ =	swait.ge [sflag:s29], $0x1  }
0xbb: {  	[sflag:s29] =	ssyncadd.s32 $0xFFFFFFFF  }
0xbc: {  	_ =	strace $0x90000048  }
0xbd: {  	_ =	sfence  }
0xbe: {  	s30 =	sld [smem:$0x0];
	_ =	sdelay $0x2  }
0xbf: {  	s31 =	sshll.u32 s1, $0xD;
	s1 =	sshrl.u32 s1, $0x2  }
0xc0: {  	s3 =	sand.u32 $0x4000, s31;
	s1 =	sadd.s32 s1, s30  }
0xc1: {  	s0 =	sor.u32 s3, s0;
	s1 =	sshll.u32 s1, $0x11  }
0xc2: {  	s0 =	sor.u32 s1, s0  }
0xc3: {  	s0 =	sadd.s32 $0x8F2B, s0  }
0xc4: {  	[sflag:s0] =	ssyncadd.remote.s32 $0x1  }
0xc5: {  	_ =	sfence.sel $0xFFFF  }
0xc6: {  	[dreg:$0x0] =	wrdreg $0xFFFFFFFF;
	(pc) =	sbr.abs _section_cstart, $3  }
0xc7: {  	[dreg:$0x1] =	wrdreg $0xFFFFFFFF  }
0xc8: {  	_ =	task.clear_ibuf [dreg:s7], $0x2FFFF;
	_ =	strace $0x9FFFFFFF  }
0xc9: {  	(tm) =	ssettm $0x7FFFFFFF  }
tec
execute0_lowered:
.L_overlay_start_1:
0x0: {  	(tag) =	ssettag $0x1  }
0x1: {  	s10 =	rddreg [dreg:$0x0]  }
0x2: {  	s4 =	rddreg [dreg:$0x1]  }
0x3: {  	s2 =	rddreg [dreg:$0x2]  }
0x4: {  	s0 =	rddreg [dreg:$0x3];
	s5 =	srdreg.scid  }
0x5: {  	s1 =	stileid.u32;
	s3 =	simm.s32 $0x0;
	s22 =	simm.s32 $0x0  }
0x6: {  	s14 =	sand.u32 $0x1, s5;
	s23 =	sshll.u32 s1, $0x1;
	[smem:$0x7FF] =	sst s3  }
0x7: {  	s15 =	sadd.s32 $0x2E00, s4;
	s9 =	smul.u32 $0x50000, s1;
	p0 =	slt.u32 s1, $0x2  }
0x8: {  	s4 =	simm.s32 $0x4F;
	s11 =	smul.u32 $0x14000, s1;
	s30 =	sshll.u32 s1, $0x2  }
0x9: {  	s5 =	sor.u32 s14, s23;
	_ =	strace $0x80000047;
	s6 =	ssub.s32 $0x2, s14  }
0xa: {  	s4 =	simm.s32 @!p0 $0x4E;
	s20 =	smul.u32 $0x140000, s14;
	s14 =	sshll.u32 s14, $0x1  }
0xb: {  	s7 =	smul.u32 $0x4E, s5;
	s8 =	sshrl.u32 s6, $0x1;
	s17 =	smin.u32 s5, $0x4  }
0xc: {  	s24 =	sshrl.u32 s9, $0x2;
	s13 =	sadd.s32 $0x4000, s11;
	s18 =	sadd.s32 $0x8000, s11  }
0xd: {  	s19 =	sadd.s32 $0xC000, s11;
	s21 =	sadd.s32 $0x10000, s11;
	s16 =	ssub.s32 s6, s8  }
0xe: {  	s5 =	sadd.s32 s24, s2;
	s6 =	sadd.s32 s13, s2;
	s8 =	sadd.s32 s19, s2  }
0xf: {  	s9 =	sadd.s32 s21, s2;
	s11 =	sadd.s32 s11, s20;
	s25 =	sadd.s32 s20, s13  }
0x10: {  	s26 =	sadd.s32 s20, s18;
	s28 =	sadd.s32 s20, s19;
	s29 =	sadd.s32 s20, s21  }
0x11: {  	s19 =	simm.s32 $0x1;
	s20 =	simm.s32 $0x80;
	s21 =	simm.s32 $0x6C00  }
0x12: {  	s12 =	sadd.s32 s17, s7;
	s7 =	sadd.s32 s18, s2;
	s11 =	sshrl.u32 s11, $0x3  }
0x13: {  	s13 =	sshrl.u32 s26, $0x3;
	s18 =	sshrl.u32 s28, $0x3;
	s17 =	ssub.s32 s17, s14  }
0x14: {  	s31 =	sshrl.u32 s29, $0x3;
	s16 =	smax.u32 s16, $0x1;
	s12 =	sshll.u32 s12, $0x4  }
0x15: {  	s11 =	sadd.s32 s15, s11;
	s13 =	sadd.s32 s15, s13;
	s14 =	sadd.s32 s15, s18  }
0x16: {  	s17 =	sadd.s32 s17, s30;
	s18 =	simm.s32 $0x2C00;
	s12 =	sand.u32 $0x1FF80, s12  }
0x17: {  	s17 =	sand.u32 $0x7, s17;
	s10 =	sadd.s32 s10, s12;
	s12 =	sshrl.u32 s25, $0x3  }
0x18: {  	v0 =	vimm.f32 $0.0e+00;
	v1 =	vimm.f32 $1.000000000e+00;
	s17 =	sshll.u32 s17, $0x7;
	s12 =	sadd.s32 s15, s12;
	s15 =	sadd.s32 s15, s31  }
.LBB2_1:
0x19: {  	s23 =	simm.s32 $0x200;
	s24 =	simm.s32 $0x0  }
.LBB2_2:
0x1a: {  	p0 =	sne.s32 s23, $0xFE00;
	[tilespmem:s24+$0x2C00] =	vst v0;
	s25 =	smov.u32 s23;
	s23 =	sadd.s32 $0x200, s23  }
.Ltmp0:
0x1b: {  	[tilespmem:s24+$0x6C00] =	vst v1;
	(pc) =	sbr.rel @p0 .LBB2_2-.Ltmp0, $2  }
0x1c: {  	_ =	sdelay $0x2  }
0x1d: {  	s24 =	sshra.s32 s25, $0x2  }
0x1e: {  	[tilespmem:s24+$0x2C00] =	vst v0  }
0x1f: {  	[tilespmem:s24+$0x6C00] =	vst v1  }
0x20: {  	[spmem:s5] =	stream.linear.scatter [tilespmem:s18], [sflag:$0x1], $0x4000, $0x38;
	[tilespmem:$0xD400] =	vst v63  }
0x21: {  	_ =	swait.ge [sflag:s19], $0x4000  }
0x22: {  	[sflag:s19] =	ssyncset.done $0x0  }
0x23: {  	[sflag:s19] =	ssyncadd.s32 $0xFFFFC000  }
0x24: {  	[spmem:s6] =	stream.linear.scatter [tilespmem:s18], [sflag:$0x1], $0x4000, $0x38;
	[tilespmem:$0xD400] =	vst v63  }
0x25: {  	_ =	swait.ge [sflag:s19], $0x4000  }
0x26: {  	[sflag:s19] =	ssyncset.done $0x0  }
0x27: {  	[sflag:s19] =	ssyncadd.s32 $0xFFFFC000  }
0x28: {  	[spmem:s7] =	stream.linear.scatter [tilespmem:s18], [sflag:$0x1], $0x4000, $0x38;
	[tilespmem:$0xD400] =	vst v63  }
0x29: {  	_ =	swait.ge [sflag:s19], $0x4000  }
0x2a: {  	[sflag:s19] =	ssyncset.done $0x0  }
0x2b: {  	[sflag:s19] =	ssyncadd.s32 $0xFFFFC000  }
0x2c: {  	[spmem:s8] =	stream.linear.scatter [tilespmem:s18], [sflag:$0x1], $0x4000, $0x38;
	[tilespmem:$0xD400] =	vst v63  }
0x2d: {  	_ =	swait.ge [sflag:s19], $0x4000  }
0x2e: {  	[sflag:s19] =	ssyncset.done $0x0  }
0x2f: {  	[sflag:s19] =	ssyncadd.s32 $0xFFFFC000  }
0x30: {  	[spmem:s9] =	stream.linear.scatter [tilespmem:s18], [sflag:$0x1], $0x4000, $0x38;
	[tilespmem:$0xD400] =	vst v63  }
0x31: {  	_ =	swait.ge [sflag:s19], $0x4000  }
0x32: {  	[sflag:s19] =	ssyncset.done $0x0  }
0x33: {  	[sflag:s19] =	ssyncadd.s32 $0xFFFFC000  }
0x34: {  	[bflag:$0x0] =	sbarrier.arrive $0xFFFF  }
0x35: {  	[tilespmem:s3], [sflag:$0x1] =	stream.linear.gather [hbm4b:s10+s3], $0x2C00, $0x38;
	[tilespmem:$0xD400] =	vst v63  }
0x36: {  	p0 =	sne.s32 s4, $0x1;
	_ =	swait.ge [sflag:s19], $0x2C00  }
.Ltmp1:
0x37: {  	[sflag:s19] =	ssyncset.done $0x0;
	(pc) =	sbr.rel @!p0 .LBB2_5-.Ltmp1, $4  }
0x38: {  	[sflag:s19] =	ssyncadd.s32 $0xFFFFD400  }
0x39: {  	[spmem:s2] =	stream.indirect.scatter.add.f32 [tilespmem:s21], [sflag:$0x1], $0x10, s17, s20, $0xb8;
	[tilespmem:$0xD400] =	vst v63  }
0x3a: {  	_ =	swait.ge [sflag:s19], $0x800  }
0x3b: {  	s23 =	sadd.s32 $0xFFFFFFFF, s4;
	s24 =	smov.u32 s17;
	[sflag:s19] =	ssyncset.done $0x0  }
.LBB2_4:
0x3c: {  	p0 =	sne.s32 s23, $0x1;
	[sflag:s19] =	ssyncadd.s32 $0xFFFFF800;
	s24 =	sadd.s32 $0x80, s24  }
.Ltmp2:
0x3d: {  	s23 =	sadd.s32 $0xFFFFFFFF, s23;
	(pc) =	sbr.rel @p0 .LBB2_4-.Ltmp2, $4  }
0x3e: {  	_ = 	snop  }
0x3f: {  	[spmem:s2] =	stream.indirect.scatter.add.f32 [tilespmem:s21], [sflag:$0x1], $0x10, s24, s20, $0xb8;
	[tilespmem:$0xD400] =	vst v63  }
0x40: {  	_ =	swait.ge [sflag:s19], $0x800  }
0x41: {  	[sflag:s19] =	ssyncset.done $0x0  }
.LBB2_5:
0x42: {  	[sflag:s19] =	ssyncadd.s32 $0xFFFFF800;
	s23 =	sshll.u32 s1, $0x6  }
0x43: {  	s24 =	sshrl.u32 s5, $0x3;
	[bflag:$0x0] =	sbarrier.arrive $0xFFFF;
	s23 =	sor.u32 $0x1C01, s23  }
0x44: {  	[hbm:s11], [sflag:s23] =	dma.local [spmem:s24], $0x800  }
0x45: {  	_ =	swait.ge [sflag:s19], $0x800  }
0x46: {  	[sflag:s19] =	ssyncset.done $0x0  }
0x47: {  	s28 =	sshrl.u32 s6, $0x3;
	[sflag:s19] =	ssyncadd.s32 $0xFFFFF800  }
0x48: {  	[hbm:s12], [sflag:s23] =	dma.local [spmem:s28], $0x800  }
0x49: {  	_ =	swait.ge [sflag:s19], $0x800  }
0x4a: {  	[sflag:s19] =	ssyncset.done $0x0  }
0x4b: {  	s29 =	sshrl.u32 s7, $0x3;
	[sflag:s19] =	ssyncadd.s32 $0xFFFFF800  }
0x4c: {  	[hbm:s13], [sflag:s23] =	dma.local [spmem:s29], $0x800  }
0x4d: {  	_ =	swait.ge [sflag:s19], $0x800  }
0x4e: {  	[sflag:s19] =	ssyncset.done $0x0  }
0x4f: {  	s30 =	sshrl.u32 s8, $0x3;
	[sflag:s19] =	ssyncadd.s32 $0xFFFFF800  }
0x50: {  	[hbm:s14], [sflag:s23] =	dma.local [spmem:s30], $0x800  }
0x51: {  	s22 =	sadd.s32 $0x1, s22;
	_ =	swait.ge [sflag:s19], $0x800  }
0x52: {  	p0 =	sne.s32 s22, s16;
	[sflag:s19] =	ssyncset.done $0x0  }
.Ltmp3:
0x53: {  	s31 =	sshrl.u32 s9, $0x3;
	[sflag:s19] =	ssyncadd.s32 $0xFFFFF800;
	(pc) =	sbr.rel @p0 .LBB2_1-.Ltmp3, $4  }
0x54: {  	[hbm:s15], [sflag:s23] =	dma.local [spmem:s31], $0x800  }
0x55: {  	_ =	swait.ge [sflag:s19], $0x800  }
0x56: {  	[sflag:s19] =	ssyncset.done $0x0  }
0x57: {  	[sflag:s19] =	ssyncadd.s32 $0xFFFFF800  }
0x58: {  	_ =	sfence.sel $0x180000  }
0x59: {  	[bflag:$0x0] =	sbarrier.arrive $0xFFFF  }
0x5a: {  	p0 =	sne.s32 s1, $0x0;
	_ =	strace $0x90000047  }
0x5b: {  	s0 =	sadd.s32 @!p0 $0x100000, s0;
	[bflag:$0x2] =	sbarrier.arrive $0xFFFF  }
0x5c: {  	[sflag:s0] =	ssyncadd.tile.s32 @!p0 $0x1;
	_ =	shalt  }
.Lfunc_end2:
_tile_overlayer_lowered:
.L_overlay_start_2:
0x5d: {  	(tag) =	ssettag $0x2  }
0x5e: {  	s0 =	rddreg [dreg:$0x0];
	s2 =	stileid.u32  }
0x5f: {  	s1 =	rddreg [dreg:$0x1];
	p0 =	sne.s32 s2, $0x0  }
0x60: {  	s3 =	rddreg [dreg:$0x2];
	[bflag:$0x3] =	sbarrier.arrive $0xFFFF;
	s2 =	simm.s32 @!p0 $0x1C01  }
0x61: {  	[timem:s3], [sflag:s2] =	dma.local @!p0 [hbm:s0], s1  }
0x62: {  	s0 =	simm.s32 @!p0 $0x1  }
0x63: {  	_ =	swait.ge @!p0 [sflag:s0], s1  }
0x64: {  	s1 =	ssub.s32 @!p0 $0x0, s1;
	[sflag:s0] =	ssyncset.done @!p0 $0x0  }
0x65: {  	[sflag:s0] =	ssyncadd.s32 @!p0 s1  }
0x66: {  	[bflag:$0x3] =	sbarrier.arrive $0xFFFF  }
0x67: {  	_ =	shalt  }

</sc_bundles>
